<compile_context>
chip_gen: v7x
topology: tpu7x:2x2x1
jax: 0.10.2.dev20260603
libtpu: 0.0.44.dev20260713+nightly
codegen_flags: <defaults>
</compile_context>

<pallas_src>
import functools
import math

import jax
import jax.numpy as jnp
from jax import lax
from jax.experimental import pallas as pl
from jax.experimental.pallas import tpu as pltpu
from jax.experimental.pallas import tpu_sc as plsc

D_MODEL = 64
SCALE = math.sqrt(D_MODEL)
NUM_CORES = 2
NUM_SUBCORES = 16
NUM_WORKERS = NUM_CORES * NUM_SUBCORES
LANES = 16
CHUNK = 512
NBUF = 2


def _emb_body(x_hbm, table_hbm, out_hbm, *scratch, b_per_w):
    idx_v = scratch[:NBUF]
    rows_v = scratch[NBUF:2 * NBUF]
    gsem = scratch[2 * NBUF:3 * NBUF]
    ssem = scratch[3 * NBUF:4 * NBUF]

    wid = lax.axis_index("s") * NUM_CORES + lax.axis_index("c")
    base = wid * b_per_w
    n_chunks = b_per_w // CHUNK

    for b in range(NBUF):
        off = base + b * CHUNK
        pltpu.sync_copy(x_hbm.at[pl.ds(off, CHUNK)], idx_v[b])
        pltpu.async_copy(table_hbm.at[idx_v[b]], rows_v[b], gsem[b])

    def super_body(k, carry):
        for b in range(NBUF):
            cur = k * NBUF + b
            off = base + cur * CHUNK
            pltpu.make_async_copy(table_hbm.at[idx_v[b]], rows_v[b],
                                  gsem[b]).wait()

            @plsc.parallel_loop(0, CHUNK, step=1, unroll=8)
            def _mul(i):
                for j in range(D_MODEL // LANES):
                    sl = pl.ds(j * LANES, LANES)
                    rows_v[b][i, sl] = rows_v[b][i, sl] * SCALE

            pltpu.async_copy(rows_v[b], out_hbm.at[pl.ds(off, CHUNK)],
                             ssem[b])
            nxt = cur + NBUF

            @pl.when(nxt < n_chunks)
            def _():
                noff = base + nxt * CHUNK
                pltpu.sync_copy(x_hbm.at[pl.ds(noff, CHUNK)], idx_v[b])
                pltpu.make_async_copy(
                    rows_v[b], out_hbm.at[pl.ds(off, CHUNK)], ssem[b]).wait()
                pltpu.async_copy(table_hbm.at[idx_v[b]], rows_v[b], gsem[b])

        return carry

    lax.fori_loop(0, n_chunks // NBUF, super_body, 0)

    for b in range(NBUF):
        off = base + (n_chunks - NBUF + b) * CHUNK
        pltpu.make_async_copy(rows_v[b], out_hbm.at[pl.ds(off, CHUNK)],
                              ssem[b]).wait()


def kernel(x, table):
    orig_shape = x.shape
    b = x.size
    assert b % (NUM_WORKERS * CHUNK * NBUF) == 0
    b_per_w = b // NUM_WORKERS

    x_flat = x.T.reshape(b)

    mesh = plsc.VectorSubcoreMesh(
        core_axis_name="c", subcore_axis_name="s",
        num_cores=NUM_CORES, num_subcores=NUM_SUBCORES,
    )
    scratch = (
        [pltpu.VMEM((CHUNK,), jnp.int32) for _ in range(NBUF)]
        + [pltpu.VMEM((CHUNK, D_MODEL), jnp.float32) for _ in range(NBUF)]
        + [pltpu.SemaphoreType.DMA for _ in range(2 * NBUF)]
    )
    f = functools.partial(
        pl.kernel,
        out_type=jax.ShapeDtypeStruct((b, D_MODEL), jnp.float32),
        mesh=mesh,
        scratch_types=scratch,
        compiler_params=pltpu.CompilerParams(use_tc_tiling_on_sc=False),
    )(functools.partial(_emb_body, b_per_w=b_per_w))
    out = f(x_flat, table)
    return out.reshape(orig_shape[1], orig_shape[0],
                       D_MODEL).transpose(1, 0, 2)

# --- scband reference (transcript-rebuilt; emitter-appended) ---
"""Pipeline reference for scband-embeddings-46377056863058 (READ-ONLY COPY).

The authoritative reference and input builder live on the scoring server;
editing this copy changes nothing except your own understanding.
"""

import jax, jax.numpy as jnp
import numpy as np
import math

D_MODEL = 64
VOCAB_SIZE = 1000000

def setup_inputs(seed: int = 0) -> dict:
    key = jax.random.key(seed)
    k1, k2 = jax.random.split(key)
    x = jax.random.randint(k1, (4096, 200), 0, VOCAB_SIZE, dtype=jnp.int64 if jax.config.jax_enable_x64 else jnp.int32)
    table = jax.random.normal(k2, (VOCAB_SIZE, D_MODEL), dtype=jnp.float32)
    return {"x": x, "table": table}

def reference(x, table):
    # Faithful translation of: self.embeddings(x) * math.sqrt(self.d_model)
    emb = jnp.take(table, x, axis=0)
    return emb * math.sqrt(D_MODEL)

if __name__ == "__main__":
    import jax
    _d = setup_inputs()
    print(jax.jit(kernel)(*tuple(_d.values())))

</pallas_src>

<mosaic_0001>
#map = affine_map<(d0, d1) -> (0)>
#map1 = affine_map<(d0, d1) -> (0, 0)>
module attributes {stable_mosaic.version = 14 : i64} {
  func.func @_emb_body(%arg0: i32, %arg1: i32, %arg2: memref<819200xi32, #tpu.memory_space<hbm>>, %arg3: memref<1000000x64xf32, #tpu.memory_space<hbm>>, %arg4: memref<819200x64xf32, #tpu.memory_space<hbm>>, %arg5: memref<512xi32, #tpu.memory_space<vmem>>, %arg6: memref<512xi32, #tpu.memory_space<vmem>>, %arg7: memref<512x64xf32, #tpu.memory_space<vmem>>, %arg8: memref<512x64xf32, #tpu.memory_space<vmem>>, %arg9: memref<!tpu.dma_semaphore, #tpu.memory_space<semaphore_mem>>, %arg10: memref<!tpu.dma_semaphore, #tpu.memory_space<semaphore_mem>>, %arg11: memref<!tpu.dma_semaphore, #tpu.memory_space<semaphore_mem>>, %arg12: memref<!tpu.dma_semaphore, #tpu.memory_space<semaphore_mem>>) attributes {dimension_semantics = [#tpu.dimension_semantics<core_parallel>, #tpu.dimension_semantics<subcore_parallel>], iteration_bounds = array<i64: 2, 16>, scalar_prefetch = 0 : i64, scratch_operands = 8 : i64, tpu.core_type = #tpu.core_type<sc_vector_subcore>, window_params = [{transform_indices = #map}, {transform_indices = #map1}, {transform_indices = #map1}]} {
    %mul3A = arith.constant 2 : i32
    %mul3A_0 = arith.muli %arg1, %mul3A : i32
    %add3A = arith.addi %mul3A_0, %arg0 : i32
    %mul3A_1 = arith.constant 25600 : i32
    %mul3A_2 = arith.muli %add3A, %mul3A_1 : i32
    %add3A_3 = arith.constant 0 : i32
    %add3A_4 = arith.addi %mul3A_2, %add3A_3 : i32
    "tpu.region"() ({
      %run_scoped3A = tpu.sem_alloc : memref<!tpu.dma_semaphore, #tpu.memory_space<semaphore_mem>>
      %dma_start3A_28 = tpu.memref_slice %arg2[%add3A_4] : memref<819200xi32, #tpu.memory_space<hbm>> -> memref<512xi32, #tpu.memory_space<hbm>>
      %dma_start3A_29 = tpu.memref_slice %arg2[%add3A_4] : memref<819200xi32, #tpu.memory_space<hbm>> -> memref<512xi32, #tpu.memory_space<hbm>>
      tpu.enqueue_dma source(%dma_start3A_29 : memref<512xi32, #tpu.memory_space<hbm>>) target(%arg5 : memref<512xi32, #tpu.memory_space<vmem>>) target_semaphore(%run_scoped3A : memref<!tpu.dma_semaphore, #tpu.memory_space<semaphore_mem>>)
      %dma_wait3A_30 = tpu.memref_slice %arg2[%add3A_4] : memref<819200xi32, #tpu.memory_space<hbm>> -> memref<512xi32, #tpu.memory_space<hbm>>
      %dma_wait3A_31 = tpu.memref_slice %arg2[%add3A_4] : memref<819200xi32, #tpu.memory_space<hbm>> -> memref<512xi32, #tpu.memory_space<hbm>>
      tpu.wait_dma2 semaphore(%run_scoped3A : memref<!tpu.dma_semaphore, #tpu.memory_space<semaphore_mem>>) src(%dma_wait3A_31 : memref<512xi32, #tpu.memory_space<hbm>>) dst(%arg5 : memref<512xi32, #tpu.memory_space<vmem>>)
      tpu.yield
    }) : () -> ()
    %dma_start3A = arith.constant 0 : i32
    %dma_start3A_5 = arith.constant 0 : i32
    %dma_start3A_6 = tpu.memref_slice %arg3[%dma_start3A, %dma_start3A_5] : memref<1000000x64xf32, #tpu.memory_space<hbm>> -> memref<1000000x64xf32, #tpu.memory_space<hbm>>
    tpu.enqueue_indirect_dma source(%dma_start3A_6 : memref<1000000x64xf32, #tpu.memory_space<hbm>>) target(%arg7 : memref<512x64xf32, #tpu.memory_space<vmem>>) offsets(%arg5 : memref<512xi32, #tpu.memory_space<vmem>>) semaphore(%arg9 : memref<!tpu.dma_semaphore, #tpu.memory_space<semaphore_mem>>)
    %add3A_7 = arith.constant 512 : i32
    %add3A_8 = arith.addi %mul3A_2, %add3A_7 : i32
    "tpu.region"() ({
      %run_scoped3A = tpu.sem_alloc : memref<!tpu.dma_semaphore, #tpu.memory_space<semaphore_mem>>
      %dma_start3A_28 = tpu.memref_slice %arg2[%add3A_8] : memref<819200xi32, #tpu.memory_space<hbm>> -> memref<512xi32, #tpu.memory_space<hbm>>
      %dma_start3A_29 = tpu.memref_slice %arg2[%add3A_8] : memref<819200xi32, #tpu.memory_space<hbm>> -> memref<512xi32, #tpu.memory_space<hbm>>
      tpu.enqueue_dma source(%dma_start3A_29 : memref<512xi32, #tpu.memory_space<hbm>>) target(%arg6 : memref<512xi32, #tpu.memory_space<vmem>>) target_semaphore(%run_scoped3A : memref<!tpu.dma_semaphore, #tpu.memory_space<semaphore_mem>>)
      %dma_wait3A_30 = tpu.memref_slice %arg2[%add3A_8] : memref<819200xi32, #tpu.memory_space<hbm>> -> memref<512xi32, #tpu.memory_space<hbm>>
      %dma_wait3A_31 = tpu.memref_slice %arg2[%add3A_8] : memref<819200xi32, #tpu.memory_space<hbm>> -> memref<512xi32, #tpu.memory_space<hbm>>
      tpu.wait_dma2 semaphore(%run_scoped3A : memref<!tpu.dma_semaphore, #tpu.memory_space<semaphore_mem>>) src(%dma_wait3A_31 : memref<512xi32, #tpu.memory_space<hbm>>) dst(%arg6 : memref<512xi32, #tpu.memory_space<vmem>>)
      tpu.yield
    }) : () -> ()
    %dma_start3A_9 = arith.constant 0 : i32
    %dma_start3A_10 = arith.constant 0 : i32
    %dma_start3A_11 = tpu.memref_slice %arg3[%dma_start3A_9, %dma_start3A_10] : memref<1000000x64xf32, #tpu.memory_space<hbm>> -> memref<1000000x64xf32, #tpu.memory_space<hbm>>
    tpu.enqueue_indirect_dma source(%dma_start3A_11 : memref<1000000x64xf32, #tpu.memory_space<hbm>>) target(%arg8 : memref<512x64xf32, #tpu.memory_space<vmem>>) offsets(%arg6 : memref<512xi32, #tpu.memory_space<vmem>>) semaphore(%arg10 : memref<!tpu.dma_semaphore, #tpu.memory_space<semaphore_mem>>)
    %scan3A = arith.constant 0 : i32
    %scan3A_12 = arith.constant 0 : i32
    %scan3A_13 = arith.constant 25 : i32
    %scan3A_14 = arith.addi %scan3A_12, %scan3A_13 : i32
    %scan3A_15 = arith.constant 1 : i32
    scf.for %scan3A_28 = %scan3A_12 to %scan3A_14 step %scan3A_15  : i32 {
      %mul3A_29 = arith.constant 2 : i32
      %mul3A_30 = arith.muli %scan3A_28, %mul3A_29 : i32
      %add3A_31 = arith.constant 0 : i32
      %add3A_32 = arith.addi %mul3A_30, %add3A_31 : i32
      %mul3A_33 = arith.constant 512 : i32
      %mul3A_34 = arith.muli %add3A_32, %mul3A_33 : i32
      %add3A_35 = arith.addi %mul3A_2, %mul3A_34 : i32
      %dma_wait3A_36 = arith.constant 0 : i32
      %dma_wait3A_37 = arith.constant 0 : i32
      %dma_wait3A_38 = tpu.memref_slice %arg3[%dma_wait3A_36, %dma_wait3A_37] : memref<1000000x64xf32, #tpu.memory_space<hbm>> -> memref<1000000x64xf32, #tpu.memory_space<hbm>>
      tpu.wait_indirect_dma semaphore(%arg9 : memref<!tpu.dma_semaphore, #tpu.memory_space<semaphore_mem>>) src(%dma_wait3A_38 : memref<1000000x64xf32, #tpu.memory_space<hbm>>) dst(%arg7 : memref<512x64xf32, #tpu.memory_space<vmem>>)
      %parallel_loop3A = arith.constant 0 : i32
      %parallel_loop3A_39 = arith.constant 512 : i32
      %parallel_loop3A_40 = arith.constant 1 : i32
      scf.for %parallel_loop3A_73 = %parallel_loop3A to %parallel_loop3A_39 step %parallel_loop3A_40  : i32 {
        %parallel_loop3A_74 = arith.index_cast %parallel_loop3A_73 : i32 to index
        %parallel_loop3A_75 = arith.constant 0 : index
        %parallel_loop3A_76 = tpu.vector_load %arg7[%parallel_loop3A_74, %parallel_loop3A_75] {strides = array<i32>} : memref<512x64xf32, #tpu.memory_space<vmem>>, vector<1x16xf32>,
        %parallel_loop3A_77 = vector.shape_cast %parallel_loop3A_76 : vector<1x16xf32> to vector<16xf32>
        %parallel_loop3A_78 = arith.constant 8.000000e+00 : f32
        %parallel_loop3A_79 = vector.broadcast %parallel_loop3A_78 : f32 to vector<16xf32>
        %parallel_loop3A_80 = arith.mulf %parallel_loop3A_77, %parallel_loop3A_79 : vector<16xf32>
        %parallel_loop3A_81 = arith.index_cast %parallel_loop3A_73 : i32 to index
        %parallel_loop3A_82 = arith.constant 0 : index
        %parallel_loop3A_83 = tpu.vector_load %arg7[%parallel_loop3A_81, %parallel_loop3A_82] {strides = array<i32>} : memref<512x64xf32, #tpu.memory_space<vmem>>, vector<1x16xf32>,
        %parallel_loop3A_84 = vector.shape_cast %parallel_loop3A_83 : vector<1x16xf32> to vector<16xf32>
        %parallel_loop3A_85 = vector.shape_cast %parallel_loop3A_80 : vector<16xf32> to vector<1x16xf32>
        tpu.vector_store %arg7[%parallel_loop3A_81, %parallel_loop3A_82], %parallel_loop3A_85 {strides = array<i32>} : memref<512x64xf32, #tpu.memory_space<vmem>>, vector<1x16xf32>,
        %parallel_loop3A_86 = arith.index_cast %parallel_loop3A_73 : i32 to index
        %parallel_loop3A_87 = arith.constant 16 : index
        %parallel_loop3A_88 = tpu.vector_load %arg7[%parallel_loop3A_86, %parallel_loop3A_87] {strides = array<i32>} : memref<512x64xf32, #tpu.memory_space<vmem>>, vector<1x16xf32>,
        %parallel_loop3A_89 = vector.shape_cast %parallel_loop3A_88 : vector<1x16xf32> to vector<16xf32>
        %parallel_loop3A_90 = arith.constant 8.000000e+00 : f32
        %parallel_loop3A_91 = vector.broadcast %parallel_loop3A_90 : f32 to vector<16xf32>
        %parallel_loop3A_92 = arith.mulf %parallel_loop3A_89, %parallel_loop3A_91 : vector<16xf32>
        %parallel_loop3A_93 = arith.index_cast %parallel_loop3A_73 : i32 to index
        %parallel_loop3A_94 = arith.constant 16 : index
        %parallel_loop3A_95 = tpu.vector_load %arg7[%parallel_loop3A_93, %parallel_loop3A_94] {strides = array<i32>} : memref<512x64xf32, #tpu.memory_space<vmem>>, vector<1x16xf32>,
        %parallel_loop3A_96 = vector.shape_cast %parallel_loop3A_95 : vector<1x16xf32> to vector<16xf32>
        %parallel_loop3A_97 = vector.shape_cast %parallel_loop3A_92 : vector<16xf32> to vector<1x16xf32>
        tpu.vector_store %arg7[%parallel_loop3A_93, %parallel_loop3A_94], %parallel_loop3A_97 {strides = array<i32>} : memref<512x64xf32, #tpu.memory_space<vmem>>, vector<1x16xf32>,
        %parallel_loop3A_98 = arith.index_cast %parallel_loop3A_73 : i32 to index
        %parallel_loop3A_99 = arith.constant 32 : index
        %parallel_loop3A_100 = tpu.vector_load %arg7[%parallel_loop3A_98, %parallel_loop3A_99] {strides = array<i32>} : memref<512x64xf32, #tpu.memory_space<vmem>>, vector<1x16xf32>,
        %parallel_loop3A_101 = vector.shape_cast %parallel_loop3A_100 : vector<1x16xf32> to vector<16xf32>
        %parallel_loop3A_102 = arith.constant 8.000000e+00 : f32
        %parallel_loop3A_103 = vector.broadcast %parallel_loop3A_102 : f32 to vector<16xf32>
        %parallel_loop3A_104 = arith.mulf %parallel_loop3A_101, %parallel_loop3A_103 : vector<16xf32>
        %parallel_loop3A_105 = arith.index_cast %parallel_loop3A_73 : i32 to index
        %parallel_loop3A_106 = arith.constant 32 : index
        %parallel_loop3A_107 = tpu.vector_load %arg7[%parallel_loop3A_105, %parallel_loop3A_106] {strides = array<i32>} : memref<512x64xf32, #tpu.memory_space<vmem>>, vector<1x16xf32>,
        %parallel_loop3A_108 = vector.shape_cast %parallel_loop3A_107 : vector<1x16xf32> to vector<16xf32>
        %parallel_loop3A_109 = vector.shape_cast %parallel_loop3A_104 : vector<16xf32> to vector<1x16xf32>
        tpu.vector_store %arg7[%parallel_loop3A_105, %parallel_loop3A_106], %parallel_loop3A_109 {strides = array<i32>} : memref<512x64xf32, #tpu.memory_space<vmem>>, vector<1x16xf32>,
        %parallel_loop3A_110 = arith.index_cast %parallel_loop3A_73 : i32 to index
        %parallel_loop3A_111 = arith.constant 48 : index
        %parallel_loop3A_112 = tpu.vector_load %arg7[%parallel_loop3A_110, %parallel_loop3A_111] {strides = array<i32>} : memref<512x64xf32, #tpu.memory_space<vmem>>, vector<1x16xf32>,
        %parallel_loop3A_113 = vector.shape_cast %parallel_loop3A_112 : vector<1x16xf32> to vector<16xf32>
        %parallel_loop3A_114 = arith.constant 8.000000e+00 : f32
        %parallel_loop3A_115 = vector.broadcast %parallel_loop3A_114 : f32 to vector<16xf32>
        %parallel_loop3A_116 = arith.mulf %parallel_loop3A_113, %parallel_loop3A_115 : vector<16xf32>
        %parallel_loop3A_117 = arith.index_cast %parallel_loop3A_73 : i32 to index
        %parallel_loop3A_118 = arith.constant 48 : index
        %parallel_loop3A_119 = tpu.vector_load %arg7[%parallel_loop3A_117, %parallel_loop3A_118] {strides = array<i32>} : memref<512x64xf32, #tpu.memory_space<vmem>>, vector<1x16xf32>,
        %parallel_loop3A_120 = vector.shape_cast %parallel_loop3A_119 : vector<1x16xf32> to vector<16xf32>
        %parallel_loop3A_121 = vector.shape_cast %parallel_loop3A_116 : vector<16xf32> to vector<1x16xf32>
        tpu.vector_store %arg7[%parallel_loop3A_117, %parallel_loop3A_118], %parallel_loop3A_121 {strides = array<i32>} : memref<512x64xf32, #tpu.memory_space<vmem>>, vector<1x16xf32>,
      } {sc.loop_unroll_factor = 8 : i64, sc.parallel_access}
      %dma_start3A_41 = arith.constant 0 : i32
      %dma_start3A_42 = tpu.memref_slice %arg4[%add3A_35, %dma_start3A_41] : memref<819200x64xf32, #tpu.memory_space<hbm>> -> memref<512x64xf32, #tpu.memory_space<hbm>>
      %dma_start3A_43 = arith.constant 0 : i32
      %dma_start3A_44 = tpu.memref_slice %arg4[%add3A_35, %dma_start3A_43] : memref<819200x64xf32, #tpu.memory_space<hbm>> -> memref<512x64xf32, #tpu.memory_space<hbm>>
      tpu.enqueue_dma source(%arg7 : memref<512x64xf32, #tpu.memory_space<vmem>>) target(%dma_start3A_44 : memref<512x64xf32, #tpu.memory_space<hbm>>) target_semaphore(%arg11 : memref<!tpu.dma_semaphore, #tpu.memory_space<semaphore_mem>>)
      %add3A_45 = arith.constant 2 : i32
      %add3A_46 = arith.addi %add3A_32, %add3A_45 : i32
      %lt3A = arith.constant 50 : i32
      %lt3A_47 = arith.cmpi slt, %add3A_46, %lt3A : i32
      %convert_element_type3A = arith.extui %lt3A_47 : i1 to i32
      %cond3A = arith.constant 0 : i32
      %cond3A_48 = arith.cmpi ne, %convert_element_type3A, %cond3A : i32
      scf.if %cond3A_48 {
        %mul3A_73 = arith.constant 512 : i32
        %mul3A_74 = arith.muli %add3A_46, %mul3A_73 : i32
        %add3A_75 = arith.addi %mul3A_2, %mul3A_74 : i32
        "tpu.region"() ({
          %run_scoped3A = tpu.sem_alloc : memref<!tpu.dma_semaphore, #tpu.memory_space<semaphore_mem>>
          %dma_start3A_83 = tpu.memref_slice %arg2[%add3A_75] : memref<819200xi32, #tpu.memory_space<hbm>> -> memref<512xi32, #tpu.memory_space<hbm>>
          %dma_start3A_84 = tpu.memref_slice %arg2[%add3A_75] : memref<819200xi32, #tpu.memory_space<hbm>> -> memref<512xi32, #tpu.memory_space<hbm>>
          tpu.enqueue_dma source(%dma_start3A_84 : memref<512xi32, #tpu.memory_space<hbm>>) target(%arg5 : memref<512xi32, #tpu.memory_space<vmem>>) target_semaphore(%run_scoped3A : memref<!tpu.dma_semaphore, #tpu.memory_space<semaphore_mem>>)
          %dma_wait3A_85 = tpu.memref_slice %arg2[%add3A_75] : memref<819200xi32, #tpu.memory_space<hbm>> -> memref<512xi32, #tpu.memory_space<hbm>>
          %dma_wait3A_86 = tpu.memref_slice %arg2[%add3A_75] : memref<819200xi32, #tpu.memory_space<hbm>> -> memref<512xi32, #tpu.memory_space<hbm>>
          tpu.wait_dma2 semaphore(%run_scoped3A : memref<!tpu.dma_semaphore, #tpu.memory_space<semaphore_mem>>) src(%dma_wait3A_86 : memref<512xi32, #tpu.memory_space<hbm>>) dst(%arg5 : memref<512xi32, #tpu.memory_space<vmem>>)
          tpu.yield
        }) : () -> ()
        %dma_wait3A_76 = arith.constant 0 : i32
        %dma_wait3A_77 = tpu.memref_slice %arg4[%add3A_35, %dma_wait3A_76] : memref<819200x64xf32, #tpu.memory_space<hbm>> -> memref<512x64xf32, #tpu.memory_space<hbm>>
        %dma_wait3A_78 = arith.constant 0 : i32
        %dma_wait3A_79 = tpu.memref_slice %arg4[%add3A_35, %dma_wait3A_78] : memref<819200x64xf32, #tpu.memory_space<hbm>> -> memref<512x64xf32, #tpu.memory_space<hbm>>
        tpu.wait_dma2 semaphore(%arg11 : memref<!tpu.dma_semaphore, #tpu.memory_space<semaphore_mem>>) src(%arg7 : memref<512x64xf32, #tpu.memory_space<vmem>>) dst(%dma_wait3A_79 : memref<512x64xf32, #tpu.memory_space<hbm>>)
        %dma_start3A_80 = arith.constant 0 : i32
        %dma_start3A_81 = arith.constant 0 : i32
        %dma_start3A_82 = tpu.memref_slice %arg3[%dma_start3A_80, %dma_start3A_81] : memref<1000000x64xf32, #tpu.memory_space<hbm>> -> memref<1000000x64xf32, #tpu.memory_space<hbm>>
        tpu.enqueue_indirect_dma source(%dma_start3A_82 : memref<1000000x64xf32, #tpu.memory_space<hbm>>) target(%arg7 : memref<512x64xf32, #tpu.memory_space<vmem>>) offsets(%arg5 : memref<512xi32, #tpu.memory_space<vmem>>) semaphore(%arg9 : memref<!tpu.dma_semaphore, #tpu.memory_space<semaphore_mem>>)
      } else {
      }
      %mul3A_49 = arith.constant 2 : i32
      %mul3A_50 = arith.muli %scan3A_28, %mul3A_49 : i32
      %add3A_51 = arith.constant 1 : i32
      %add3A_52 = arith.addi %mul3A_50, %add3A_51 : i32
      %mul3A_53 = arith.constant 512 : i32
      %mul3A_54 = arith.muli %add3A_52, %mul3A_53 : i32
      %add3A_55 = arith.addi %mul3A_2, %mul3A_54 : i32
      %dma_wait3A_56 = arith.constant 0 : i32
      %dma_wait3A_57 = arith.constant 0 : i32
      %dma_wait3A_58 = tpu.memref_slice %arg3[%dma_wait3A_56, %dma_wait3A_57] : memref<1000000x64xf32, #tpu.memory_space<hbm>> -> memref<1000000x64xf32, #tpu.memory_space<hbm>>
      tpu.wait_indirect_dma semaphore(%arg10 : memref<!tpu.dma_semaphore, #tpu.memory_space<semaphore_mem>>) src(%dma_wait3A_58 : memref<1000000x64xf32, #tpu.memory_space<hbm>>) dst(%arg8 : memref<512x64xf32, #tpu.memory_space<vmem>>)
      %parallel_loop3A_59 = arith.constant 0 : i32
      %parallel_loop3A_60 = arith.constant 512 : i32
      %parallel_loop3A_61 = arith.constant 1 : i32
      scf.for %parallel_loop3A_73 = %parallel_loop3A_59 to %parallel_loop3A_60 step %parallel_loop3A_61  : i32 {
        %parallel_loop3A_74 = arith.index_cast %parallel_loop3A_73 : i32 to index
        %parallel_loop3A_75 = arith.constant 0 : index
        %parallel_loop3A_76 = tpu.vector_load %arg8[%parallel_loop3A_74, %parallel_loop3A_75] {strides = array<i32>} : memref<512x64xf32, #tpu.memory_space<vmem>>, vector<1x16xf32>,
        %parallel_loop3A_77 = vector.shape_cast %parallel_loop3A_76 : vector<1x16xf32> to vector<16xf32>
        %parallel_loop3A_78 = arith.constant 8.000000e+00 : f32
        %parallel_loop3A_79 = vector.broadcast %parallel_loop3A_78 : f32 to vector<16xf32>
        %parallel_loop3A_80 = arith.mulf %parallel_loop3A_77, %parallel_loop3A_79 : vector<16xf32>
        %parallel_loop3A_81 = arith.index_cast %parallel_loop3A_73 : i32 to index
        %parallel_loop3A_82 = arith.constant 0 : index
        %parallel_loop3A_83 = tpu.vector_load %arg8[%parallel_loop3A_81, %parallel_loop3A_82] {strides = array<i32>} : memref<512x64xf32, #tpu.memory_space<vmem>>, vector<1x16xf32>,
        %parallel_loop3A_84 = vector.shape_cast %parallel_loop3A_83 : vector<1x16xf32> to vector<16xf32>
        %parallel_loop3A_85 = vector.shape_cast %parallel_loop3A_80 : vector<16xf32> to vector<1x16xf32>
        tpu.vector_store %arg8[%parallel_loop3A_81, %parallel_loop3A_82], %parallel_loop3A_85 {strides = array<i32>} : memref<512x64xf32, #tpu.memory_space<vmem>>, vector<1x16xf32>,
        %parallel_loop3A_86 = arith.index_cast %parallel_loop3A_73 : i32 to index
        %parallel_loop3A_87 = arith.constant 16 : index
        %parallel_loop3A_88 = tpu.vector_load %arg8[%parallel_loop3A_86, %parallel_loop3A_87] {strides = array<i32>} : memref<512x64xf32, #tpu.memory_space<vmem>>, vector<1x16xf32>,
        %parallel_loop3A_89 = vector.shape_cast %parallel_loop3A_88 : vector<1x16xf32> to vector<16xf32>
        %parallel_loop3A_90 = arith.constant 8.000000e+00 : f32
        %parallel_loop3A_91 = vector.broadcast %parallel_loop3A_90 : f32 to vector<16xf32>
        %parallel_loop3A_92 = arith.mulf %parallel_loop3A_89, %parallel_loop3A_91 : vector<16xf32>
        %parallel_loop3A_93 = arith.index_cast %parallel_loop3A_73 : i32 to index
        %parallel_loop3A_94 = arith.constant 16 : index
        %parallel_loop3A_95 = tpu.vector_load %arg8[%parallel_loop3A_93, %parallel_loop3A_94] {strides = array<i32>} : memref<512x64xf32, #tpu.memory_space<vmem>>, vector<1x16xf32>,
        %parallel_loop3A_96 = vector.shape_cast %parallel_loop3A_95 : vector<1x16xf32> to vector<16xf32>
        %parallel_loop3A_97 = vector.shape_cast %parallel_loop3A_92 : vector<16xf32> to vector<1x16xf32>
        tpu.vector_store %arg8[%parallel_loop3A_93, %parallel_loop3A_94], %parallel_loop3A_97 {strides = array<i32>} : memref<512x64xf32, #tpu.memory_space<vmem>>, vector<1x16xf32>,
        %parallel_loop3A_98 = arith.index_cast %parallel_loop3A_73 : i32 to index
        %parallel_loop3A_99 = arith.constant 32 : index
        %parallel_loop3A_100 = tpu.vector_load %arg8[%parallel_loop3A_98, %parallel_loop3A_99] {strides = array<i32>} : memref<512x64xf32, #tpu.memory_space<vmem>>, vector<1x16xf32>,
        %parallel_loop3A_101 = vector.shape_cast %parallel_loop3A_100 : vector<1x16xf32> to vector<16xf32>
        %parallel_loop3A_102 = arith.constant 8.000000e+00 : f32
        %parallel_loop3A_103 = vector.broadcast %parallel_loop3A_102 : f32 to vector<16xf32>
        %parallel_loop3A_104 = arith.mulf %parallel_loop3A_101, %parallel_loop3A_103 : vector<16xf32>
        %parallel_loop3A_105 = arith.index_cast %parallel_loop3A_73 : i32 to index
        %parallel_loop3A_106 = arith.constant 32 : index
        %parallel_loop3A_107 = tpu.vector_load %arg8[%parallel_loop3A_105, %parallel_loop3A_106] {strides = array<i32>} : memref<512x64xf32, #tpu.memory_space<vmem>>, vector<1x16xf32>,
        %parallel_loop3A_108 = vector.shape_cast %parallel_loop3A_107 : vector<1x16xf32> to vector<16xf32>
        %parallel_loop3A_109 = vector.shape_cast %parallel_loop3A_104 : vector<16xf32> to vector<1x16xf32>
        tpu.vector_store %arg8[%parallel_loop3A_105, %parallel_loop3A_106], %parallel_loop3A_109 {strides = array<i32>} : memref<512x64xf32, #tpu.memory_space<vmem>>, vector<1x16xf32>,
        %parallel_loop3A_110 = arith.index_cast %parallel_loop3A_73 : i32 to index
        %parallel_loop3A_111 = arith.constant 48 : index
        %parallel_loop3A_112 = tpu.vector_load %arg8[%parallel_loop3A_110, %parallel_loop3A_111] {strides = array<i32>} : memref<512x64xf32, #tpu.memory_space<vmem>>, vector<1x16xf32>,
        %parallel_loop3A_113 = vector.shape_cast %parallel_loop3A_112 : vector<1x16xf32> to vector<16xf32>
        %parallel_loop3A_114 = arith.constant 8.000000e+00 : f32
        %parallel_loop3A_115 = vector.broadcast %parallel_loop3A_114 : f32 to vector<16xf32>
        %parallel_loop3A_116 = arith.mulf %parallel_loop3A_113, %parallel_loop3A_115 : vector<16xf32>
        %parallel_loop3A_117 = arith.index_cast %parallel_loop3A_73 : i32 to index
        %parallel_loop3A_118 = arith.constant 48 : index
        %parallel_loop3A_119 = tpu.vector_load %arg8[%parallel_loop3A_117, %parallel_loop3A_118] {strides = array<i32>} : memref<512x64xf32, #tpu.memory_space<vmem>>, vector<1x16xf32>,
        %parallel_loop3A_120 = vector.shape_cast %parallel_loop3A_119 : vector<1x16xf32> to vector<16xf32>
        %parallel_loop3A_121 = vector.shape_cast %parallel_loop3A_116 : vector<16xf32> to vector<1x16xf32>
        tpu.vector_store %arg8[%parallel_loop3A_117, %parallel_loop3A_118], %parallel_loop3A_121 {strides = array<i32>} : memref<512x64xf32, #tpu.memory_space<vmem>>, vector<1x16xf32>,
      } {sc.loop_unroll_factor = 8 : i64, sc.parallel_access}
      %dma_start3A_62 = arith.constant 0 : i32
      %dma_start3A_63 = tpu.memref_slice %arg4[%add3A_55, %dma_start3A_62] : memref<819200x64xf32, #tpu.memory_space<hbm>> -> memref<512x64xf32, #tpu.memory_space<hbm>>
      %dma_start3A_64 = arith.constant 0 : i32
      %dma_start3A_65 = tpu.memref_slice %arg4[%add3A_55, %dma_start3A_64] : memref<819200x64xf32, #tpu.memory_space<hbm>> -> memref<512x64xf32, #tpu.memory_space<hbm>>
      tpu.enqueue_dma source(%arg8 : memref<512x64xf32, #tpu.memory_space<vmem>>) target(%dma_start3A_65 : memref<512x64xf32, #tpu.memory_space<hbm>>) target_semaphore(%arg12 : memref<!tpu.dma_semaphore, #tpu.memory_space<semaphore_mem>>)
      %add3A_66 = arith.constant 2 : i32
      %add3A_67 = arith.addi %add3A_52, %add3A_66 : i32
      %lt3A_68 = arith.constant 50 : i32
      %lt3A_69 = arith.cmpi slt, %add3A_67, %lt3A_68 : i32
      %convert_element_type3A_70 = arith.extui %lt3A_69 : i1 to i32
      %cond3A_71 = arith.constant 0 : i32
      %cond3A_72 = arith.cmpi ne, %convert_element_type3A_70, %cond3A_71 : i32
      scf.if %cond3A_72 {
        %mul3A_73 = arith.constant 512 : i32
        %mul3A_74 = arith.muli %add3A_67, %mul3A_73 : i32
        %add3A_75 = arith.addi %mul3A_2, %mul3A_74 : i32
        "tpu.region"() ({
          %run_scoped3A = tpu.sem_alloc : memref<!tpu.dma_semaphore, #tpu.memory_space<semaphore_mem>>
          %dma_start3A_83 = tpu.memref_slice %arg2[%add3A_75] : memref<819200xi32, #tpu.memory_space<hbm>> -> memref<512xi32, #tpu.memory_space<hbm>>
          %dma_start3A_84 = tpu.memref_slice %arg2[%add3A_75] : memref<819200xi32, #tpu.memory_space<hbm>> -> memref<512xi32, #tpu.memory_space<hbm>>
          tpu.enqueue_dma source(%dma_start3A_84 : memref<512xi32, #tpu.memory_space<hbm>>) target(%arg6 : memref<512xi32, #tpu.memory_space<vmem>>) target_semaphore(%run_scoped3A : memref<!tpu.dma_semaphore, #tpu.memory_space<semaphore_mem>>)
          %dma_wait3A_85 = tpu.memref_slice %arg2[%add3A_75] : memref<819200xi32, #tpu.memory_space<hbm>> -> memref<512xi32, #tpu.memory_space<hbm>>
          %dma_wait3A_86 = tpu.memref_slice %arg2[%add3A_75] : memref<819200xi32, #tpu.memory_space<hbm>> -> memref<512xi32, #tpu.memory_space<hbm>>
          tpu.wait_dma2 semaphore(%run_scoped3A : memref<!tpu.dma_semaphore, #tpu.memory_space<semaphore_mem>>) src(%dma_wait3A_86 : memref<512xi32, #tpu.memory_space<hbm>>) dst(%arg6 : memref<512xi32, #tpu.memory_space<vmem>>)
          tpu.yield
        }) : () -> ()
        %dma_wait3A_76 = arith.constant 0 : i32
        %dma_wait3A_77 = tpu.memref_slice %arg4[%add3A_55, %dma_wait3A_76] : memref<819200x64xf32, #tpu.memory_space<hbm>> -> memref<512x64xf32, #tpu.memory_space<hbm>>
        %dma_wait3A_78 = arith.constant 0 : i32
        %dma_wait3A_79 = tpu.memref_slice %arg4[%add3A_55, %dma_wait3A_78] : memref<819200x64xf32, #tpu.memory_space<hbm>> -> memref<512x64xf32, #tpu.memory_space<hbm>>
        tpu.wait_dma2 semaphore(%arg12 : memref<!tpu.dma_semaphore, #tpu.memory_space<semaphore_mem>>) src(%arg8 : memref<512x64xf32, #tpu.memory_space<vmem>>) dst(%dma_wait3A_79 : memref<512x64xf32, #tpu.memory_space<hbm>>)
        %dma_start3A_80 = arith.constant 0 : i32
        %dma_start3A_81 = arith.constant 0 : i32
        %dma_start3A_82 = tpu.memref_slice %arg3[%dma_start3A_80, %dma_start3A_81] : memref<1000000x64xf32, #tpu.memory_space<hbm>> -> memref<1000000x64xf32, #tpu.memory_space<hbm>>
        tpu.enqueue_indirect_dma source(%dma_start3A_82 : memref<1000000x64xf32, #tpu.memory_space<hbm>>) target(%arg8 : memref<512x64xf32, #tpu.memory_space<vmem>>) offsets(%arg6 : memref<512xi32, #tpu.memory_space<vmem>>) semaphore(%arg10 : memref<!tpu.dma_semaphore, #tpu.memory_space<semaphore_mem>>)
      } else {
      }
    }
    %scan3A_16 = arith.constant 25 : i32
    %add3A_17 = arith.constant 24576 : i32
    %add3A_18 = arith.addi %mul3A_2, %add3A_17 : i32
    %dma_wait3A = arith.constant 0 : i32
    %dma_wait3A_19 = tpu.memref_slice %arg4[%add3A_18, %dma_wait3A] : memref<819200x64xf32, #tpu.memory_space<hbm>> -> memref<512x64xf32, #tpu.memory_space<hbm>>
    %dma_wait3A_20 = arith.constant 0 : i32
    %dma_wait3A_21 = tpu.memref_slice %arg4[%add3A_18, %dma_wait3A_20] : memref<819200x64xf32, #tpu.memory_space<hbm>> -> memref<512x64xf32, #tpu.memory_space<hbm>>
    tpu.wait_dma2 semaphore(%arg11 : memref<!tpu.dma_semaphore, #tpu.memory_space<semaphore_mem>>) src(%arg7 : memref<512x64xf32, #tpu.memory_space<vmem>>) dst(%dma_wait3A_21 : memref<512x64xf32, #tpu.memory_space<hbm>>)
    %add3A_22 = arith.constant 25088 : i32
    %add3A_23 = arith.addi %mul3A_2, %add3A_22 : i32
    %dma_wait3A_24 = arith.constant 0 : i32
    %dma_wait3A_25 = tpu.memref_slice %arg4[%add3A_23, %dma_wait3A_24] : memref<819200x64xf32, #tpu.memory_space<hbm>> -> memref<512x64xf32, #tpu.memory_space<hbm>>
    %dma_wait3A_26 = arith.constant 0 : i32
    %dma_wait3A_27 = tpu.memref_slice %arg4[%add3A_23, %dma_wait3A_26] : memref<819200x64xf32, #tpu.memory_space<hbm>> -> memref<512x64xf32, #tpu.memory_space<hbm>>
    tpu.wait_dma2 semaphore(%arg12 : memref<!tpu.dma_semaphore, #tpu.memory_space<semaphore_mem>>) src(%arg8 : memref<512x64xf32, #tpu.memory_space<vmem>>) dst(%dma_wait3A_27 : memref<512x64xf32, #tpu.memory_space<hbm>>)
    return
  }
}

</mosaic_0001>

<sc_bundles>
// kernel: kernel.3.cloned.1.call-start
scs
__scs_entry_jumppad:
0x0: {  	(pc) =	sbr.rel $0x88, $3  }
0x1: {  	(tag) =	ssettag $0x0;
	lr =	simm.s32 $0x1  }
0x2: {  	[smem:$0x3F9F] =	sst lr;
	_ =	strace $0xD0000000  }
0x3: {  	_ = 	snop  }
0x4: {  	_ = 	snop  }
0x5: {  	_ = 	snop  }
0x6: {  	_ = 	snop  }
0x7: {  	_ = 	snop  }
__scs_overlays_trampoline_lowered:
0x8: {  	[smem:$0x3FAE] =	sst s0  }
0x9: {  	[smem:$0x3FAF] =	sst s1  }
0xa: {  	[smem:$0x3FB0] =	sst s2  }
0xb: {  	[smem:$0x3FB1] =	sst s3  }
0xc: {  	[smem:$0x3FB2] =	sst s4  }
0xd: {  	[smem:$0x3FB3] =	sst s5  }
0xe: {  	[smem:$0x3FB4] =	sst s6  }
0xf: {  	[smem:$0x3FB5] =	sst s7  }
0x10: {  	[smem:$0x3FB6] =	sst s8  }
0x11: {  	[smem:$0x3FB7] =	sst s9;
	s0 =	simm.s32 @!p0 $0x0  }
0x12: {  	s1 =	sld [smem:$0x3F9D];
	s0 =	simm.s32 @p0 $0x1  }
0x13: {  	[smem:$0x3FB8] =	sst s0;
	s0 =	simm.s32 @!p1 $0x0  }
0x14: {  	s2 =	sld [smem:$0x3F9C];
	s0 =	simm.s32 @p1 $0x1  }
0x15: {  	[smem:$0x3FB9] =	sst s0;
	s0 =	simm.s32 @!p2 $0x0  }
0x16: {  	s3 =	sld [smem:$0x3FDB];
	s0 =	simm.s32 @p2 $0x1  }
0x17: {  	s4 =	simm.s32 $0x1BF5;
	[smem:$0x3FBB] =	sst s0  }
0x18: {  	s0 =	sld [smem:$0x3F9E];
	_ =	swait.ge [sflag:s4], $0x0  }
0x19: {  	s7 =	sld [smem:$0x3F9F]  }
0x1a: {  	s8 =	sadd.s32 $0xFFFFE003, lr  }
0x1b: {  	s9 =	sadd.s32 $0xFFFFFEF7, lr;
	s5 =	simm.s32 $0xFFFFFFFF;
	p2 =	slt.u32 s8, $0xFFFFF086  }
0x1c: {  	p1 =	slt.u32 s9, $0xF7A;
	s5 =	simm.s32 @!p2 $0x0  }
0x1d: {  	s5 =	simm.s32 @p1 $0x1;
	p0 =	seq.s32 s7, s2  }
0x1e: {  	s7 =	smul.u32 @!p0 $0xF7A, s2;
	p2 =	seq.s32 @!p0 s5, $0x0  }
0x1f: {  	s9 =	smul.u32 $0xF7A, s1;
	s8 =	simm.s32 @!p0 $0x1BF5;
	p2 =	por !p2, p0  }
0x20: {  	[sflag:s8] =	ssyncset.s32 @!p0 $0xFFFFF086;
	s6 =	sadd.s32 @!p0 s3, s7;
	s7 =	simm.s32 @!p0 $0x108  }
0x21: {  	s3 =	sadd.s32 s3, s9;
	s6 =	sadd.s32 @!p0 $0x88, s6;
	s7 =	simm.s32 @p2 $0x1082  }
0x22: {  	[simem:s7], [sflag:s8] =	dma.local @!p0 [hbm:s6], $0xF7A  }
0x23: {  	s9 =	sor.u32 $0xD0000000, s2;
	s6 =	simm.s32 $0x108;
	_ =	swait.ge @!p0 [sflag:s8], $0x0  }
0x24: {  	s3 =	sadd.s32 $0x88, s3;
	s6 =	simm.s32 @!p1 $0x1082;
	[sflag:s4] =	ssyncset.s32 $0xFFFFF086  }
0x25: {  	[simem:s6], [sflag:s4] =	dma.local [hbm:s3], $0xF7A  }
0x26: {  	[smem:$0x3F9F] =	sst s1;
	(tag) =	ssettag s2;
	_ =	strace s9  }
0x27: {  	s1 =	sld [smem:$0x3FAF]  }
0x28: {  	s2 =	sld [smem:$0x3FB0]  }
0x29: {  	s4 =	sld [smem:$0x3FB2]  }
0x2a: {  	p0 =	seq.s32 s5, $0x0;
	s5 =	sld [smem:$0x3FB3]  }
0x2b: {  	s6 =	sld [smem:$0x3FB4]  }
0x2c: {  	s7 =	sld [smem:$0x3FB5]  }
0x2d: {  	s3 =	simm.s32 $0x108;
	s8 =	sld [smem:$0x3FB6]  }
0x2e: {  	s3 =	simm.s32 @!p0 $0x1082;
	s9 =	sld [smem:$0x3FB7]  }
0x2f: {  	lr =	sadd.s32 s0, s3;
	s0 =	sld [smem:$0x3FAE]  }
0x30: {  	s3 =	sld [smem:$0x3FB1]  }
0x31: {  	[smem:$0x3FBA] =	sst s10  }
0x32: {  	s10 =	sld [smem:$0x3FB8];
	_ =	sdelay $0x3  }
0x33: {  	p0 =	seq.s32 s10, $0x1;
	s10 =	sld [smem:$0x3FBA];
	_ =	sdelay $0x3  }
0x34: {  	[smem:$0x3FBA] =	sst s10  }
0x35: {  	s10 =	sld [smem:$0x3FB9];
	_ =	sdelay $0x3  }
0x36: {  	p1 =	seq.s32 s10, $0x1;
	s10 =	sld [smem:$0x3FBA];
	_ =	sdelay $0x3  }
0x37: {  	[smem:$0x3FBA] =	sst s10  }
0x38: {  	s10 =	sld [smem:$0x3FBB]  }
0x39: {  	_ = 	snop;
	(pc) =	sbr.ind lr, $3  }
0x3a: {  	_ = 	snop  }
0x3b: {  	_ = 	snop  }
0x3c: {  	p2 =	seq.s32 s10, $0x1;
	s10 =	sld [smem:$0x3FBA]  }
0x3d: {  	_ =	shalt  }
0x3e: {  	_ =	shalt  }
0x3f: {  	_ =	shalt  }
0x40: {  	_ =	shalt  }
0x41: {  	_ =	shalt  }
0x42: {  	_ =	shalt  }
0x43: {  	_ =	shalt  }
0x44: {  	_ =	shalt  }
0x45: {  	_ =	shalt  }
0x46: {  	_ =	shalt  }
0x47: {  	_ =	shalt  }
0x48: {  	_ =	shalt  }
0x49: {  	_ =	shalt  }
0x4a: {  	_ =	shalt  }
0x4b: {  	_ =	shalt  }
0x4c: {  	_ =	shalt  }
0x4d: {  	_ =	shalt  }
0x4e: {  	_ =	shalt  }
0x4f: {  	_ =	shalt  }
0x50: {  	_ =	shalt  }
0x51: {  	_ =	shalt  }
0x52: {  	_ =	shalt  }
0x53: {  	_ =	shalt  }
0x54: {  	_ =	shalt  }
0x55: {  	_ =	shalt  }
0x56: {  	_ =	shalt  }
0x57: {  	_ =	shalt  }
0x58: {  	_ =	shalt  }
0x59: {  	_ =	shalt  }
0x5a: {  	_ =	shalt  }
0x5b: {  	_ =	shalt  }
0x5c: {  	_ =	shalt  }
0x5d: {  	_ =	shalt  }
0x5e: {  	_ =	shalt  }
0x5f: {  	_ =	shalt  }
0x60: {  	_ =	shalt  }
0x61: {  	_ =	shalt  }
0x62: {  	_ =	shalt  }
0x63: {  	_ =	shalt  }
0x64: {  	_ =	shalt  }
0x65: {  	_ =	shalt  }
0x66: {  	_ =	shalt  }
0x67: {  	_ =	shalt  }
0x68: {  	_ =	shalt  }
0x69: {  	_ =	shalt  }
0x6a: {  	_ =	shalt  }
0x6b: {  	_ =	shalt  }
0x6c: {  	_ =	shalt  }
0x6d: {  	_ =	shalt  }
0x6e: {  	_ =	shalt  }
0x6f: {  	_ =	shalt  }
0x70: {  	_ =	shalt  }
0x71: {  	_ =	shalt  }
0x72: {  	_ =	shalt  }
0x73: {  	_ =	shalt  }
0x74: {  	_ =	shalt  }
0x75: {  	_ =	shalt  }
0x76: {  	_ =	shalt  }
0x77: {  	_ =	shalt  }
0x78: {  	_ =	shalt  }
0x79: {  	_ =	shalt  }
0x7a: {  	_ =	shalt  }
0x7b: {  	_ =	shalt  }
0x7c: {  	_ =	shalt  }
0x7d: {  	_ =	shalt  }
0x7e: {  	_ =	shalt  }
0x7f: {  	_ =	shalt  }
0x80: {  	_ =	shalt  }
0x81: {  	_ =	shalt  }
0x82: {  	_ =	shalt  }
0x83: {  	_ =	shalt  }
0x84: {  	_ =	shalt  }
0x85: {  	_ =	shalt  }
0x86: {  	_ =	shalt  }
0x87: {  	_ =	shalt  }
.Lfunc_end0:
.L_simem_size_0:
called_computation.1_lowered:
.L_overlay_start_0:
0x88: {  	s2 =	sld [smem:$0x3FD9]  }
0x89: {  	s3 =	sld [smem:$0x3FFE];
	_ =	sdelay $0x1  }
0x8a: {  	s1 =	srdreg.scid  }
0x8b: {  	s0 =	sand.u32 $0x1, s1  }
0x8c: {  	s17 =	sshll.u32 s0, $0xA;
	s2 =	sadd.s32 s3, s2  }
0x8d: {  	s2 =	sadd.s32 s2, s17  }
0x8e: {  	[smem:$0x3FC6] =	sst s2  }
0x8f: {  	_ = 	snop  }
0x90: {  	s2 =	sld [smem:$0x3FD0];
	(tm) =	ssettm $0x1  }
0x91: {  	s18 =	sld [smem:$0x3FFB];
	_ =	sdelay $0x3  }
0x92: {  	_ =	strace s18  }
0x93: {  	s3 =	sld [smem:$0x3FFC];
	_ =	sdelay $0x3  }
0x94: {  	_ =	strace s3  }
0x95: {  	s3 =	sld [smem:$0x3FFD];
	_ =	sdelay $0x3  }
0x96: {  	_ =	strace s3  }
0x97: {  	_ =	strace $0x8FFFFFFF  }
0x98: {  	s19 =	sld [smem:$0x3FDB];
	_ =	sdelay $0x1  }
0x99: {  	s4 =	simm.s32 $_scs_section_size  }
0x9a: {  	s5 =	simm.s32 $_size__tile_overlayer_lowered;
	s6 =	simm.s32 $_tile_overlayer_lowered  }
0x9b: {  	s22 =	simm.s32 $0x1BFF;
	s21 =	sshll.u32 s6, $0x1;
	s3 =	sadd.s32 s4, s19  }
0x9c: {  	s7 =	simm.s32 $0x0;
	s20 =	sshll.u32 s5, $0x1;
	s5 =	sadd.s32 s21, s3  }
0x9d: {  	[timem:s7], [sflag:s22] =	dma.local [hbm:s5], s20  }
0x9e: {  	_ =	swait.ge [sflag:s22], s20  }
0x9f: {  	s4 =	ssub.s32 $0x0, s20;
	[sflag:s22] =	ssyncset.done $0x0  }
0xa0: {  	[sflag:s22] =	ssyncadd.s32 s4;
	_ =	sdelay $0x1  }
0xa1: {  	s23 =	simm.s32 $0x1B8B  }
0xa2: {  	_ =	swait.ge [sflag:s23], $0x1  }
0xa3: {  	[sflag:s23] =	ssyncset.done $0x0  }
0xa4: {  	s25 =	simm.s32 $0x1B8E;
	s24 =	sld [smem:$0x3FFE];
	[sflag:s23] =	ssyncadd.s32 $0xFFFFFFFF  }
0xa5: {  	s26 =	simm.s32 $execute0_lowered;
	[smem:$0x3FD2] =	sst s25  }
0xa6: {  	s5 =	sshll.u32 s26, $0x1;
	_ =	strace $0x80000046;
	[dreg:$0x1] =	wrdreg $0xFFFFFFFF  }
0xa7: {  	s28 =	simm.s32 $_size_execute0_lowered;
	s3 =	sadd.s32 s3, s5;
	[dreg:$0x0] =	wrdreg $0x0  }
0xa8: {  	s5 =	sshll.u32 s28, $0x1;
	[dreg:$0x2] =	wrdreg s3  }
0xa9: {  	[dreg:$0x3] =	wrdreg s5  }
0xaa: {  	[dreg:$0x4] =	wrdreg $0xC0  }
0xab: {  	_ =	task [dreg:s7], $0x5FFFF  }
0xac: {  	[dreg:$0x1] =	wrdreg $0xFFFFFFFF  }
0xad: {  	[dreg:$0x0] =	wrdreg $0x60  }
0xae: {  	[dreg:$0x2] =	wrdreg s24  }
0xaf: {  	[dreg:$0x3] =	wrdreg s2  }
0xb0: {  	[dreg:$0x4] =	wrdreg $0x9  }
0xb1: {  	_ =	task.clear_ibuf [dreg:s7], $0x5FFFF;
	_ =	strace $0x90000046  }
0xb2: {  	s29 =	simm.s32 $0x9;
	_ =	strace $0x80000048  }
0xb3: {  	_ =	swait.ge [sflag:s29], $0x1  }
0xb4: {  	[sflag:s29] =	ssyncadd.s32 $0xFFFFFFFF  }
0xb5: {  	_ =	strace $0x90000048  }
0xb6: {  	_ =	sfence  }
0xb7: {  	s30 =	sld [smem:$0x0];
	_ =	sdelay $0x2  }
0xb8: {  	s31 =	sshll.u32 s1, $0xD;
	s1 =	sshrl.u32 s1, $0x2  }
0xb9: {  	s3 =	sand.u32 $0x4000, s31;
	s1 =	sadd.s32 s1, s30  }
0xba: {  	s0 =	sor.u32 s3, s0;
	s1 =	sshll.u32 s1, $0x11  }
0xbb: {  	s0 =	sor.u32 s1, s0  }
0xbc: {  	s0 =	sadd.s32 $0x8F2B, s0  }
0xbd: {  	[sflag:s0] =	ssyncadd.remote.s32 $0x1  }
0xbe: {  	_ =	sfence.sel $0xFFFF  }
0xbf: {  	[dreg:$0x0] =	wrdreg $0xFFFFFFFF;
	(pc) =	sbr.abs _section_cstart, $3  }
0xc0: {  	[dreg:$0x1] =	wrdreg $0xFFFFFFFF  }
0xc1: {  	_ =	task.clear_ibuf [dreg:s7], $0x2FFFF;
	_ =	strace $0x9FFFFFFF  }
0xc2: {  	(tm) =	ssettm $0x7FFFFFFF  }
0xc3: {  	_ =	shalt  }
tec
execute0_lowered:
.L_overlay_start_1:
0x0: {  	(tag) =	ssettag $0x1  }
0x1: {  	s5 =	rddreg [dreg:$0x0];
	s1 =	srdreg.scid  }
0x2: {  	s0 =	stileid.u32;
	s2 =	rddreg [dreg:$0x1];
	s3 =	simm.s32 $0x0  }
0x3: {  	s13 =	simm.s32 $0x5;
	s14 =	simm.s32 $0x200;
	s15 =	simm.s32 $0x400  }
0x4: {  	s16 =	simm.s32 $0x8400;
	s17 =	simm.s32 $0x1;
	s18 =	simm.s32 $0x2  }
0x5: {  	s19 =	simm.s32 $0x3;
	s4 =	sand.u32 $0x1, s1;
	s6 =	sshll.u32 s0, $0x1  }
0x6: {  	s20 =	simm.s32 $0x4;
	s1 =	rddreg [dreg:$0x2];
	s8 =	sor.u32 s4, s6  }
0x7: {  	s21 =	simm.s32 $0x0;
	[smem:$0x7FF] =	sst s3;
	s11 =	smul.u32 $0x6400, s8  }
.Ltmp0:
0x8: {  	_ =	strace $0x80000047;
	s31 =	ssub.s32 $0x2, s4;
	(pc) =	sbr.rel .LBB2_1-.Ltmp0, $4  }
0x9: {  	s4 =	sadd.s32 $0xA00, s5;
	s5 =	sadd.s32 $0xF42E00, s5;
	s7 =	sshrl.u32 s31, $0x1  }
0xa: {  	s8 =	smul.u32 $0x190000, s8;
	s12 =	ssub.s32 s31, s7;
	s9 =	sshrl.u32 s11, $0x3  }
0xb: {  	s10 =	sor.u32 $0x200, s11;
	s12 =	smax.u32 s12, $0x1;
	s6 =	sadd.s32 s4, s9  }
0xc: {  	s9 =	sadd.s32 $0x400, s11;
	s11 =	sadd.s32 $0x600, s11;
	s7 =	sadd.s32 $0x40, s6  }
.LBB2_8:
0xd: {  	s21 =	sadd.s32 $0x1, s21  }
0xe: {  	_ =	swait.ge [sflag:s19], $0x8000;
	p0 =	sne.s32 s21, s12  }
.Ltmp1:
0xf: {  	[sflag:s19] =	ssyncset.done $0x0;
	(pc) =	sbr.rel @!p0 .LBB2_9-.Ltmp1, $4  }
0x10: {  	[sflag:s19] =	ssyncadd.s32 $0xFFFF8000  }
0x11: {  	_ =	swait.ge [sflag:s20], $0x8000  }
0x12: {  	[sflag:s20] =	ssyncset.done $0x0  }
0x13: {  	[sflag:s20] =	ssyncadd.s32 $0xFFFF8000  }
.LBB2_1:
0x14: {  	[tilespmem:s3], [sflag:$0x5] =	stream.linear.gather [hbm4b:s6+s3], $0x200, $0x38;
	[tilespmem:$0x10400] =	vst v63  }
0x15: {  	_ =	swait.ge [sflag:s13], $0x200  }
0x16: {  	[sflag:s13] =	ssyncset.done $0x0  }
0x17: {  	[sflag:s13] =	ssyncadd.s32 $0xFFFFFE00  }
0x18: {  	[tilespmem:s15], [sflag:$0x1] =	stream.indirect.gather [hbm4b:s5+s14], $0x40, s3, s14, $0xb8;
	[tilespmem:$0x10400] =	vst v63  }
0x19: {  	_ = 	snop  }
0x1a: {  	[tilespmem:s14], [sflag:$0x5] =	stream.linear.gather [hbm4b:s7+s3], $0x200, $0x38;
	[tilespmem:$0x10400] =	vst v63  }
0x1b: {  	_ =	swait.ge [sflag:s13], $0x200  }
0x1c: {  	[sflag:s13] =	ssyncset.done $0x0  }
0x1d: {  	s22 =	simm.s32 $0x0;
	[sflag:s13] =	ssyncadd.s32 $0xFFFFFE00  }
0x1e: {  	[tilespmem:s16], [sflag:$0x2] =	stream.indirect.gather [hbm4b:s5+s14], $0x40, s14, s14, $0xb8;
	[tilespmem:$0x10400] =	vst v63  }
.LBB2_2:
0x1f: {  	_ =	swait.ge [sflag:s17], $0x8000  }
0x20: {  	[sflag:s17] =	ssyncset.done $0x0  }
0x21: {  	s23 =	simm.s32 $0x500;
	[sflag:s17] =	ssyncadd.s32 $0xFFFF8000  }
0x22: {  	v0 =	vld [tilespmem:s23+$0xF0]  }
0x23: {  	v1 =	vld [tilespmem:s23+$0xFFFFFF10]  }
0x24: {  	v2 =	vld [tilespmem:s23+$0xFFFFFF20]  }
0x25: {  	v3 =	vld [tilespmem:s23+$0xFFFFFF30]  }
0x26: {  	v4 =	vld [tilespmem:s23+$0xFFFFFF40]  }
0x27: {  	v5 =	vld [tilespmem:s23+$0xFFFFFF50];
	v0 =	vmul.f32 $8.000000000e+00, v0  }
0x28: {  	v6 =	vld [tilespmem:s23+$0xFFFFFF60];
	v1 =	vmul.f32 $8.000000000e+00, v1  }
0x29: {  	v7 =	vld [tilespmem:s23+$0xFFFFFF70];
	v2 =	vmul.f32 $8.000000000e+00, v2;
	[tilespmem:s23+$0xF0] =	vst v0  }
0x2a: {  	[tilespmem:s23+$0xFFFFFF10] =	vst v1;
	v0 =	vmul.f32 $8.000000000e+00, v3;
	v1 =	vld [tilespmem:s23+$0xFFFFFF80]  }
0x2b: {  	[tilespmem:s23+$0xFFFFFF20] =	vst v2;
	v2 =	vmul.f32 $8.000000000e+00, v4;
	v3 =	vld [tilespmem:s23+$0xFFFFFF90]  }
0x2c: {  	v4 =	vld [tilespmem:s23+$0xFFFFFFA0];
	[tilespmem:s23+$0xFFFFFF30] =	vst v0;
	v0 =	vmul.f32 $8.000000000e+00, v5  }
0x2d: {  	[tilespmem:s23+$0xFFFFFF40] =	vst v2;
	v2 =	vmul.f32 $8.000000000e+00, v6;
	v5 =	vld [tilespmem:s23+$0xFFFFFFB0]  }
0x2e: {  	v6 =	vld [tilespmem:s23+$0xFFFFFFC0];
	[tilespmem:s23+$0xFFFFFF50] =	vst v0;
	v0 =	vmul.f32 $8.000000000e+00, v7  }
0x2f: {  	[tilespmem:s23+$0xFFFFFF60] =	vst v2;
	v2 =	vld [tilespmem:s23+$0xFFFFFFD0];
	v1 =	vmul.f32 $8.000000000e+00, v1  }
0x30: {  	[tilespmem:s23+$0xFFFFFF70] =	vst v0;
	v0 =	vmul.f32 $8.000000000e+00, v3;
	v3 =	vld [tilespmem:s23+$0xFFFFFFE0]  }
0x31: {  	[tilespmem:s23+$0xFFFFFF80] =	vst v1;
	v1 =	vmul.f32 $8.000000000e+00, v4;
	v4 =	vld [tilespmem:s23+$0xFFFFFFF0]  }
0x32: {  	[tilespmem:s23+$0xFFFFFF90] =	vst v0;
	v0 =	vmul.f32 $8.000000000e+00, v5;
	v5 =	vld [tilespmem:s23+$0x0]  }
0x33: {  	[tilespmem:s23+$0xFFFFFFA0] =	vst v1;
	v1 =	vmul.f32 $8.000000000e+00, v6;
	v6 =	vld [tilespmem:s23+$0x10]  }
0x34: {  	[tilespmem:s23+$0xFFFFFFB0] =	vst v0;
	v0 =	vmul.f32 $8.000000000e+00, v2;
	v2 =	vld [tilespmem:s23+$0x20]  }
0x35: {  	[tilespmem:s23+$0xFFFFFFC0] =	vst v1;
	v1 =	vmul.f32 $8.000000000e+00, v3;
	v3 =	vld [tilespmem:s23+$0x30]  }
0x36: {  	[tilespmem:s23+$0xFFFFFFD0] =	vst v0;
	v0 =	vmul.f32 $8.000000000e+00, v4;
	v4 =	vld [tilespmem:s23+$0x40]  }
0x37: {  	[tilespmem:s23+$0xFFFFFFE0] =	vst v1;
	v1 =	vmul.f32 $8.000000000e+00, v5;
	v5 =	vld [tilespmem:s23+$0x50]  }
0x38: {  	[tilespmem:s23+$0xFFFFFFF0] =	vst v0;
	v0 =	vmul.f32 $8.000000000e+00, v6;
	v6 =	vld [tilespmem:s23+$0x60]  }
0x39: {  	[tilespmem:s23+$0x0] =	vst v1;
	v1 =	vmul.f32 $8.000000000e+00, v2;
	v2 =	vld [tilespmem:s23+$0x70]  }
0x3a: {  	[tilespmem:s23+$0x10] =	vst v0;
	v0 =	vmul.f32 $8.000000000e+00, v3;
	v3 =	vld [tilespmem:s23+$0x80]  }
0x3b: {  	[tilespmem:s23+$0x20] =	vst v1;
	v1 =	vmul.f32 $8.000000000e+00, v4;
	v4 =	vld [tilespmem:s23+$0x90]  }
0x3c: {  	v7 =	vld [tilespmem:s23+$0xA0];
	[tilespmem:s23+$0x30] =	vst v0;
	v5 =	vmul.f32 $8.000000000e+00, v5  }
0x3d: {  	v0 =	vld [tilespmem:s23+$0xB0];
	[tilespmem:s23+$0x40] =	vst v1;
	v6 =	vmul.f32 $8.000000000e+00, v6  }
0x3e: {  	v1 =	vld [tilespmem:s23+$0xC0];
	[tilespmem:s23+$0x50] =	vst v5;
	v5 =	vmul.f32 $8.000000000e+00, v2  }
0x3f: {  	v2 =	vld [tilespmem:s23+$0xD0];
	[tilespmem:s23+$0x60] =	vst v6;
	v6 =	vmul.f32 $8.000000000e+00, v3  }
0x40: {  	v3 =	vld [tilespmem:s23+$0xE0];
	[tilespmem:s23+$0x70] =	vst v5;
	v5 =	vmul.f32 $8.000000000e+00, v4  }
0x41: {  	s24 =	simm.s32 $0x0;
	s25 =	simm.s32 $0x700;
	v4 =	vld [tilespmem:s23+$0xFFFFFF00];
	[tilespmem:s23+$0x80] =	vst v6;
	v6 =	vmul.f32 $8.000000000e+00, v7  }
.LBB2_3:
0x42: {  	v7 =	vld [tilespmem:s25+$0xF0];
	s24 =	sadd.s32 $0x8, s24;
	[tilespmem:s23+$0x90] =	vst v5;
	v0 =	vmul.f32 $8.000000000e+00, v0  }
0x43: {  	v5 =	vld [tilespmem:s25+$0xFFFFFF10];
	p0 =	slt.u32 s24, $0x1F8;
	[tilespmem:s23+$0xA0] =	vst v6;
	v1 =	vmul.f32 $8.000000000e+00, v1  }
0x44: {  	v6 =	vld [tilespmem:s25+$0xFFFFFF20];
	[tilespmem:s23+$0xB0] =	vst v0;
	v0 =	vmul.f32 $8.000000000e+00, v2  }
0x45: {  	v2 =	vld [tilespmem:s25+$0xFFFFFF30];
	[tilespmem:s23+$0xC0] =	vst v1;
	v1 =	vmul.f32 $8.000000000e+00, v3  }
0x46: {  	v3 =	vld [tilespmem:s25+$0xFFFFFF40];
	v4 =	vmul.f32 $8.000000000e+00, v4;
	[tilespmem:s23+$0xD0] =	vst v0  }
0x47: {  	v0 =	vld [tilespmem:s25+$0xFFFFFF50];
	v7 =	vmul.f32 $8.000000000e+00, v7;
	[tilespmem:s23+$0xE0] =	vst v1  }
0x48: {  	v1 =	vmul.f32 $8.000000000e+00, v5;
	v5 =	vld [tilespmem:s25+$0xFFFFFF60];
	[tilespmem:s23+$0xFFFFFF00] =	vst v4;
	s23 =	smov.u32 s25  }
0x49: {  	v4 =	vmul.f32 $8.000000000e+00, v6;
	v6 =	vld [tilespmem:s25+$0xFFFFFF70];
	[tilespmem:s25+$0xF0] =	vst v7  }
0x4a: {  	[tilespmem:s25+$0xFFFFFF10] =	vst v1;
	v1 =	vmul.f32 $8.000000000e+00, v2;
	v2 =	vld [tilespmem:s25+$0xFFFFFF80]  }
0x4b: {  	[tilespmem:s25+$0xFFFFFF20] =	vst v4;
	v3 =	vmul.f32 $8.000000000e+00, v3;
	v4 =	vld [tilespmem:s25+$0xFFFFFF90]  }
0x4c: {  	[tilespmem:s25+$0xFFFFFF30] =	vst v1;
	v0 =	vmul.f32 $8.000000000e+00, v0;
	v1 =	vld [tilespmem:s25+$0xFFFFFFA0]  }
0x4d: {  	[tilespmem:s25+$0xFFFFFF40] =	vst v3;
	v3 =	vmul.f32 $8.000000000e+00, v5;
	v5 =	vld [tilespmem:s25+$0xFFFFFFB0]  }
0x4e: {  	[tilespmem:s25+$0xFFFFFF50] =	vst v0;
	v0 =	vmul.f32 $8.000000000e+00, v6;
	v6 =	vld [tilespmem:s25+$0xFFFFFFC0]  }
0x4f: {  	[tilespmem:s25+$0xFFFFFF60] =	vst v3;
	v2 =	vmul.f32 $8.000000000e+00, v2;
	v3 =	vld [tilespmem:s25+$0xFFFFFFD0]  }
0x50: {  	[tilespmem:s25+$0xFFFFFF70] =	vst v0;
	v0 =	vmul.f32 $8.000000000e+00, v4;
	v4 =	vld [tilespmem:s25+$0xFFFFFFE0]  }
0x51: {  	[tilespmem:s25+$0xFFFFFF80] =	vst v2;
	v1 =	vmul.f32 $8.000000000e+00, v1;
	v2 =	vld [tilespmem:s25+$0xFFFFFFF0]  }
0x52: {  	[tilespmem:s25+$0xFFFFFF90] =	vst v0;
	v0 =	vmul.f32 $8.000000000e+00, v5;
	v5 =	vld [tilespmem:s25+$0x0]  }
0x53: {  	[tilespmem:s25+$0xFFFFFFA0] =	vst v1;
	v1 =	vmul.f32 $8.000000000e+00, v6;
	v6 =	vld [tilespmem:s25+$0x10]  }
0x54: {  	[tilespmem:s25+$0xFFFFFFB0] =	vst v0;
	v0 =	vmul.f32 $8.000000000e+00, v3;
	v3 =	vld [tilespmem:s25+$0x20]  }
0x55: {  	[tilespmem:s25+$0xFFFFFFC0] =	vst v1;
	v1 =	vmul.f32 $8.000000000e+00, v4;
	v4 =	vld [tilespmem:s25+$0x30]  }
0x56: {  	[tilespmem:s25+$0xFFFFFFD0] =	vst v0;
	v0 =	vmul.f32 $8.000000000e+00, v2;
	v2 =	vld [tilespmem:s25+$0x40]  }
0x57: {  	[tilespmem:s25+$0xFFFFFFE0] =	vst v1;
	v1 =	vmul.f32 $8.000000000e+00, v5;
	v5 =	vld [tilespmem:s25+$0x50]  }
0x58: {  	[tilespmem:s25+$0xFFFFFFF0] =	vst v0;
	v0 =	vmul.f32 $8.000000000e+00, v6;
	v6 =	vld [tilespmem:s25+$0x60]  }
0x59: {  	[tilespmem:s25+$0x0] =	vst v1;
	v1 =	vmul.f32 $8.000000000e+00, v3;
	v3 =	vld [tilespmem:s25+$0x70]  }
0x5a: {  	[tilespmem:s25+$0x10] =	vst v0;
	v0 =	vmul.f32 $8.000000000e+00, v4;
	v4 =	vld [tilespmem:s25+$0x80]  }
0x5b: {  	[tilespmem:s25+$0x20] =	vst v1;
	v1 =	vmul.f32 $8.000000000e+00, v2;
	v7 =	vld [tilespmem:s25+$0x90]  }
0x5c: {  	[tilespmem:s25+$0x30] =	vst v0;
	v2 =	vmul.f32 $8.000000000e+00, v5;
	v8 =	vld [tilespmem:s25+$0xA0]  }
.Ltmp2:
0x5d: {  	[tilespmem:s25+$0x40] =	vst v1;
	v5 =	vmul.f32 $8.000000000e+00, v6;
	v0 =	vld [tilespmem:s25+$0xB0];
	(pc) =	sbr.rel @p0 .LBB2_3-.Ltmp2, $4  }
0x5e: {  	[tilespmem:s25+$0x50] =	vst v2;
	v3 =	vmul.f32 $8.000000000e+00, v3;
	v1 =	vld [tilespmem:s25+$0xC0]  }
0x5f: {  	[tilespmem:s25+$0x60] =	vst v5;
	v6 =	vmul.f32 $8.000000000e+00, v4;
	v2 =	vld [tilespmem:s25+$0xD0]  }
0x60: {  	[tilespmem:s25+$0x70] =	vst v3;
	v5 =	vmul.f32 $8.000000000e+00, v7;
	v3 =	vld [tilespmem:s25+$0xE0]  }
0x61: {  	s25 =	sadd.s32 $0x200, s25;
	v4 =	vld [tilespmem:s23+$0xFFFFFF00];
	[tilespmem:s23+$0x80] =	vst v6;
	v6 =	vmul.f32 $8.000000000e+00, v8  }
0x62: {  	[tilespmem:s23+$0x90] =	vst v5;
	v0 =	vmul.f32 $8.000000000e+00, v0  }
0x63: {  	[tilespmem:s23+$0xA0] =	vst v6;
	v1 =	vmul.f32 $8.000000000e+00, v1  }
0x64: {  	[tilespmem:s23+$0xB0] =	vst v0;
	v0 =	vmul.f32 $8.000000000e+00, v2  }
0x65: {  	s24 =	sshll.u32 s22, $0x10;
	[tilespmem:s23+$0xC0] =	vst v1;
	v1 =	vmul.f32 $8.000000000e+00, v3  }
0x66: {  	s24 =	sadd.s32 s8, s24;
	v2 =	vmul.f32 $8.000000000e+00, v4;
	[tilespmem:s23+$0xD0] =	vst v0  }
0x67: {  	s24 =	sshrl.u32 s24, $0x3;
	[tilespmem:s23+$0xE0] =	vst v1  }
0x68: {  	p0 =	seq.s32 s22, $0x18;
	s31 =	sadd.s32 s2, s24;
	[tilespmem:s23+$0xFFFFFF00] =	vst v2;
	s23 =	sshll.u32 s22, $0xA  }
0x69: {  	[hbm4b:s31+s3] =	stream.linear.scatter [tilespmem:s15], [sflag:$0x3], $0x8000, $0x38;
	[tilespmem:$0x10400] =	vst v63  }
0x6a: {  	s24 =	sadd.s32 @!p0 s23, s9  }
0x6b: {  	s24 =	sshrl.u32 @!p0 s24, $0x3  }
0x6c: {  	s25 =	simm.s32 @!p0 $0x0;
	s24 =	sadd.s32 @!p0 s4, s24  }
0x6d: {  	[tilespmem:s25], [sflag:$0x5] =	stream.linear.gather @!p0 [hbm4b:s24+s25], $0x200, $0x38;
	[tilespmem:$0x10400] =	vst v63  }
0x6e: {  	s24 =	simm.s32 @!p0 $0x5  }
0x6f: {  	_ =	swait.ge @!p0 [sflag:s24], $0x200  }
0x70: {  	[sflag:s24] =	ssyncset.done @!p0 $0x0  }
0x71: {  	[sflag:s24] =	ssyncadd.s32 @!p0 $0xFFFFFE00;
	s24 =	simm.s32 @!p0 $0x3  }
0x72: {  	_ =	swait.ge @!p0 [sflag:s24], $0x8000  }
0x73: {  	[sflag:s24] =	ssyncset.done @!p0 $0x0  }
0x74: {  	s26 =	simm.s32 @!p0 $0x400;
	[sflag:s24] =	ssyncadd.s32 @!p0 $0xFFFF8000;
	s24 =	simm.s32 @!p0 $0x200  }
0x75: {  	[tilespmem:s26], [sflag:$0x1] =	stream.indirect.gather @!p0 [hbm4b:s5+s24], $0x40, s25, s24, $0xb8;
	[tilespmem:$0x10400] =	vst v63  }
0x76: {  	_ =	swait.ge [sflag:s18], $0x8000  }
0x77: {  	[sflag:s18] =	ssyncset.done $0x0  }
0x78: {  	s24 =	simm.s32 $0x8500;
	[sflag:s18] =	ssyncadd.s32 $0xFFFF8000  }
0x79: {  	v0 =	vld [tilespmem:s24+$0xF0]  }
0x7a: {  	v1 =	vld [tilespmem:s24+$0xFFFFFF10]  }
0x7b: {  	v2 =	vld [tilespmem:s24+$0xFFFFFF20]  }
0x7c: {  	v3 =	vld [tilespmem:s24+$0xFFFFFF30]  }
0x7d: {  	v4 =	vld [tilespmem:s24+$0xFFFFFF40]  }
0x7e: {  	v5 =	vld [tilespmem:s24+$0xFFFFFF50];
	v0 =	vmul.f32 $8.000000000e+00, v0  }
0x7f: {  	v6 =	vld [tilespmem:s24+$0xFFFFFF60];
	v1 =	vmul.f32 $8.000000000e+00, v1  }
0x80: {  	v7 =	vld [tilespmem:s24+$0xFFFFFF70];
	v2 =	vmul.f32 $8.000000000e+00, v2;
	[tilespmem:s24+$0xF0] =	vst v0  }
0x81: {  	[tilespmem:s24+$0xFFFFFF10] =	vst v1;
	v0 =	vmul.f32 $8.000000000e+00, v3;
	v1 =	vld [tilespmem:s24+$0xFFFFFF80]  }
0x82: {  	[tilespmem:s24+$0xFFFFFF20] =	vst v2;
	v2 =	vmul.f32 $8.000000000e+00, v4;
	v3 =	vld [tilespmem:s24+$0xFFFFFF90]  }
0x83: {  	v4 =	vld [tilespmem:s24+$0xFFFFFFA0];
	[tilespmem:s24+$0xFFFFFF30] =	vst v0;
	v0 =	vmul.f32 $8.000000000e+00, v5  }
0x84: {  	[tilespmem:s24+$0xFFFFFF40] =	vst v2;
	v2 =	vmul.f32 $8.000000000e+00, v6;
	v5 =	vld [tilespmem:s24+$0xFFFFFFB0]  }
0x85: {  	v6 =	vld [tilespmem:s24+$0xFFFFFFC0];
	[tilespmem:s24+$0xFFFFFF50] =	vst v0;
	v0 =	vmul.f32 $8.000000000e+00, v7  }
0x86: {  	[tilespmem:s24+$0xFFFFFF60] =	vst v2;
	v2 =	vld [tilespmem:s24+$0xFFFFFFD0];
	v1 =	vmul.f32 $8.000000000e+00, v1  }
0x87: {  	[tilespmem:s24+$0xFFFFFF70] =	vst v0;
	v0 =	vmul.f32 $8.000000000e+00, v3;
	v3 =	vld [tilespmem:s24+$0xFFFFFFE0]  }
0x88: {  	[tilespmem:s24+$0xFFFFFF80] =	vst v1;
	v1 =	vmul.f32 $8.000000000e+00, v4;
	v4 =	vld [tilespmem:s24+$0xFFFFFFF0]  }
0x89: {  	[tilespmem:s24+$0xFFFFFF90] =	vst v0;
	v0 =	vmul.f32 $8.000000000e+00, v5;
	v5 =	vld [tilespmem:s24+$0x0]  }
0x8a: {  	[tilespmem:s24+$0xFFFFFFA0] =	vst v1;
	v1 =	vmul.f32 $8.000000000e+00, v6;
	v6 =	vld [tilespmem:s24+$0x10]  }
0x8b: {  	[tilespmem:s24+$0xFFFFFFB0] =	vst v0;
	v0 =	vmul.f32 $8.000000000e+00, v2;
	v2 =	vld [tilespmem:s24+$0x20]  }
0x8c: {  	[tilespmem:s24+$0xFFFFFFC0] =	vst v1;
	v1 =	vmul.f32 $8.000000000e+00, v3;
	v3 =	vld [tilespmem:s24+$0x30]  }
0x8d: {  	[tilespmem:s24+$0xFFFFFFD0] =	vst v0;
	v0 =	vmul.f32 $8.000000000e+00, v4;
	v4 =	vld [tilespmem:s24+$0x40]  }
0x8e: {  	[tilespmem:s24+$0xFFFFFFE0] =	vst v1;
	v1 =	vmul.f32 $8.000000000e+00, v5;
	v5 =	vld [tilespmem:s24+$0x50]  }
0x8f: {  	[tilespmem:s24+$0xFFFFFFF0] =	vst v0;
	v0 =	vmul.f32 $8.000000000e+00, v6;
	v6 =	vld [tilespmem:s24+$0x60]  }
0x90: {  	[tilespmem:s24+$0x0] =	vst v1;
	v1 =	vmul.f32 $8.000000000e+00, v2;
	v2 =	vld [tilespmem:s24+$0x70]  }
0x91: {  	[tilespmem:s24+$0x10] =	vst v0;
	v0 =	vmul.f32 $8.000000000e+00, v3;
	v3 =	vld [tilespmem:s24+$0x80]  }
0x92: {  	[tilespmem:s24+$0x20] =	vst v1;
	v1 =	vmul.f32 $8.000000000e+00, v4;
	v4 =	vld [tilespmem:s24+$0x90]  }
0x93: {  	v7 =	vld [tilespmem:s24+$0xA0];
	[tilespmem:s24+$0x30] =	vst v0;
	v5 =	vmul.f32 $8.000000000e+00, v5  }
0x94: {  	v0 =	vld [tilespmem:s24+$0xB0];
	[tilespmem:s24+$0x40] =	vst v1;
	v6 =	vmul.f32 $8.000000000e+00, v6  }
0x95: {  	v1 =	vld [tilespmem:s24+$0xC0];
	[tilespmem:s24+$0x50] =	vst v5;
	v5 =	vmul.f32 $8.000000000e+00, v2  }
0x96: {  	v2 =	vld [tilespmem:s24+$0xD0];
	[tilespmem:s24+$0x60] =	vst v6;
	v6 =	vmul.f32 $8.000000000e+00, v3  }
0x97: {  	v3 =	vld [tilespmem:s24+$0xE0];
	[tilespmem:s24+$0x70] =	vst v5;
	v5 =	vmul.f32 $8.000000000e+00, v4  }
0x98: {  	s25 =	simm.s32 $0x0;
	s26 =	simm.s32 $0x8700;
	v4 =	vld [tilespmem:s24+$0xFFFFFF00];
	[tilespmem:s24+$0x80] =	vst v6;
	v6 =	vmul.f32 $8.000000000e+00, v7  }
.LBB2_5:
0x99: {  	v7 =	vld [tilespmem:s26+$0xF0];
	s25 =	sadd.s32 $0x8, s25;
	[tilespmem:s24+$0x90] =	vst v5;
	v0 =	vmul.f32 $8.000000000e+00, v0  }
0x9a: {  	v5 =	vld [tilespmem:s26+$0xFFFFFF10];
	p1 =	slt.u32 s25, $0x1F8;
	[tilespmem:s24+$0xA0] =	vst v6;
	v1 =	vmul.f32 $8.000000000e+00, v1  }
0x9b: {  	v6 =	vld [tilespmem:s26+$0xFFFFFF20];
	[tilespmem:s24+$0xB0] =	vst v0;
	v0 =	vmul.f32 $8.000000000e+00, v2  }
0x9c: {  	v2 =	vld [tilespmem:s26+$0xFFFFFF30];
	[tilespmem:s24+$0xC0] =	vst v1;
	v1 =	vmul.f32 $8.000000000e+00, v3  }
0x9d: {  	v3 =	vld [tilespmem:s26+$0xFFFFFF40];
	v4 =	vmul.f32 $8.000000000e+00, v4;
	[tilespmem:s24+$0xD0] =	vst v0  }
0x9e: {  	v0 =	vld [tilespmem:s26+$0xFFFFFF50];
	v7 =	vmul.f32 $8.000000000e+00, v7;
	[tilespmem:s24+$0xE0] =	vst v1  }
0x9f: {  	v1 =	vmul.f32 $8.000000000e+00, v5;
	v5 =	vld [tilespmem:s26+$0xFFFFFF60];
	[tilespmem:s24+$0xFFFFFF00] =	vst v4;
	s24 =	smov.u32 s26  }
0xa0: {  	v4 =	vmul.f32 $8.000000000e+00, v6;
	v6 =	vld [tilespmem:s26+$0xFFFFFF70];
	[tilespmem:s26+$0xF0] =	vst v7  }
0xa1: {  	[tilespmem:s26+$0xFFFFFF10] =	vst v1;
	v1 =	vmul.f32 $8.000000000e+00, v2;
	v2 =	vld [tilespmem:s26+$0xFFFFFF80]  }
0xa2: {  	[tilespmem:s26+$0xFFFFFF20] =	vst v4;
	v3 =	vmul.f32 $8.000000000e+00, v3;
	v4 =	vld [tilespmem:s26+$0xFFFFFF90]  }
0xa3: {  	[tilespmem:s26+$0xFFFFFF30] =	vst v1;
	v0 =	vmul.f32 $8.000000000e+00, v0;
	v1 =	vld [tilespmem:s26+$0xFFFFFFA0]  }
0xa4: {  	[tilespmem:s26+$0xFFFFFF40] =	vst v3;
	v3 =	vmul.f32 $8.000000000e+00, v5;
	v5 =	vld [tilespmem:s26+$0xFFFFFFB0]  }
0xa5: {  	[tilespmem:s26+$0xFFFFFF50] =	vst v0;
	v0 =	vmul.f32 $8.000000000e+00, v6;
	v6 =	vld [tilespmem:s26+$0xFFFFFFC0]  }
0xa6: {  	[tilespmem:s26+$0xFFFFFF60] =	vst v3;
	v2 =	vmul.f32 $8.000000000e+00, v2;
	v3 =	vld [tilespmem:s26+$0xFFFFFFD0]  }
0xa7: {  	[tilespmem:s26+$0xFFFFFF70] =	vst v0;
	v0 =	vmul.f32 $8.000000000e+00, v4;
	v4 =	vld [tilespmem:s26+$0xFFFFFFE0]  }
0xa8: {  	[tilespmem:s26+$0xFFFFFF80] =	vst v2;
	v1 =	vmul.f32 $8.000000000e+00, v1;
	v2 =	vld [tilespmem:s26+$0xFFFFFFF0]  }
0xa9: {  	[tilespmem:s26+$0xFFFFFF90] =	vst v0;
	v0 =	vmul.f32 $8.000000000e+00, v5;
	v5 =	vld [tilespmem:s26+$0x0]  }
0xaa: {  	[tilespmem:s26+$0xFFFFFFA0] =	vst v1;
	v1 =	vmul.f32 $8.000000000e+00, v6;
	v6 =	vld [tilespmem:s26+$0x10]  }
0xab: {  	[tilespmem:s26+$0xFFFFFFB0] =	vst v0;
	v0 =	vmul.f32 $8.000000000e+00, v3;
	v3 =	vld [tilespmem:s26+$0x20]  }
0xac: {  	[tilespmem:s26+$0xFFFFFFC0] =	vst v1;
	v1 =	vmul.f32 $8.000000000e+00, v4;
	v4 =	vld [tilespmem:s26+$0x30]  }
0xad: {  	[tilespmem:s26+$0xFFFFFFD0] =	vst v0;
	v0 =	vmul.f32 $8.000000000e+00, v2;
	v2 =	vld [tilespmem:s26+$0x40]  }
0xae: {  	[tilespmem:s26+$0xFFFFFFE0] =	vst v1;
	v1 =	vmul.f32 $8.000000000e+00, v5;
	v5 =	vld [tilespmem:s26+$0x50]  }
0xaf: {  	[tilespmem:s26+$0xFFFFFFF0] =	vst v0;
	v0 =	vmul.f32 $8.000000000e+00, v6;
	v6 =	vld [tilespmem:s26+$0x60]  }
0xb0: {  	[tilespmem:s26+$0x0] =	vst v1;
	v1 =	vmul.f32 $8.000000000e+00, v3;
	v3 =	vld [tilespmem:s26+$0x70]  }
0xb1: {  	[tilespmem:s26+$0x10] =	vst v0;
	v0 =	vmul.f32 $8.000000000e+00, v4;
	v4 =	vld [tilespmem:s26+$0x80]  }
0xb2: {  	[tilespmem:s26+$0x20] =	vst v1;
	v1 =	vmul.f32 $8.000000000e+00, v2;
	v7 =	vld [tilespmem:s26+$0x90]  }
0xb3: {  	[tilespmem:s26+$0x30] =	vst v0;
	v2 =	vmul.f32 $8.000000000e+00, v5;
	v8 =	vld [tilespmem:s26+$0xA0]  }
.Ltmp3:
0xb4: {  	[tilespmem:s26+$0x40] =	vst v1;
	v5 =	vmul.f32 $8.000000000e+00, v6;
	v0 =	vld [tilespmem:s26+$0xB0];
	(pc) =	sbr.rel @p1 .LBB2_5-.Ltmp3, $4  }
0xb5: {  	[tilespmem:s26+$0x50] =	vst v2;
	v3 =	vmul.f32 $8.000000000e+00, v3;
	v1 =	vld [tilespmem:s26+$0xC0]  }
0xb6: {  	[tilespmem:s26+$0x60] =	vst v5;
	v6 =	vmul.f32 $8.000000000e+00, v4;
	v2 =	vld [tilespmem:s26+$0xD0]  }
0xb7: {  	[tilespmem:s26+$0x70] =	vst v3;
	v5 =	vmul.f32 $8.000000000e+00, v7;
	v3 =	vld [tilespmem:s26+$0xE0]  }
0xb8: {  	s26 =	sadd.s32 $0x200, s26;
	v4 =	vld [tilespmem:s24+$0xFFFFFF00];
	[tilespmem:s24+$0x80] =	vst v6;
	v6 =	vmul.f32 $8.000000000e+00, v8  }
0xb9: {  	[tilespmem:s24+$0x90] =	vst v5;
	v0 =	vmul.f32 $8.000000000e+00, v0  }
0xba: {  	[tilespmem:s24+$0xA0] =	vst v6;
	v1 =	vmul.f32 $8.000000000e+00, v1  }
0xbb: {  	[tilespmem:s24+$0xB0] =	vst v0;
	v61 =	vmul.f32 $8.000000000e+00, v2  }
.Ltmp4:
0xbc: {  	s25 =	sadd.s32 s23, s10;
	[tilespmem:s24+$0xC0] =	vst v1;
	v62 =	vmul.f32 $8.000000000e+00, v3;
	(pc) =	sbr.rel @p0 .LBB2_8-.Ltmp4, $4  }
0xbd: {  	s25 =	sshll.u32 s25, $0x3;
	v63 =	vmul.f32 $8.000000000e+00, v4;
	[tilespmem:s24+$0xD0] =	vst v61  }
0xbe: {  	s25 =	sand.u32 $0x1FFFF000, s25;
	[tilespmem:s24+$0xE0] =	vst v62  }
0xbf: {  	s31 =	sadd.s32 s2, s25;
	[tilespmem:s24+$0xFFFFFF00] =	vst v63  }
0xc0: {  	[hbm4b:s31+s3] =	stream.linear.scatter [tilespmem:s16], [sflag:$0x4], $0x8000, $0x38;
	[tilespmem:$0x10400] =	vst v63  }
0xc1: {  	s23 =	sadd.s32 s23, s11  }
0xc2: {  	s23 =	sshrl.u32 s23, $0x3  }
0xc3: {  	s23 =	sadd.s32 s4, s23  }
0xc4: {  	[tilespmem:s14], [sflag:$0x5] =	stream.linear.gather [hbm4b:s23+s3], $0x200, $0x38;
	[tilespmem:$0x10400] =	vst v63  }
0xc5: {  	_ =	swait.ge [sflag:s13], $0x200  }
0xc6: {  	[sflag:s13] =	ssyncset.done $0x0  }
.Ltmp5:
0xc7: {  	[sflag:s13] =	ssyncadd.s32 $0xFFFFFE00;
	(pc) =	sbr.rel .LBB2_2-.Ltmp5, $4  }
0xc8: {  	_ =	swait.ge [sflag:s20], $0x8000  }
0xc9: {  	[sflag:s20] =	ssyncset.done $0x0  }
0xca: {  	s22 =	sadd.s32 $0x1, s22;
	[sflag:s20] =	ssyncadd.s32 $0xFFFF8000  }
0xcb: {  	[tilespmem:s16], [sflag:$0x2] =	stream.indirect.gather [hbm4b:s5+s14], $0x40, s14, s14, $0xb8;
	[tilespmem:$0x10400] =	vst v63  }
.LBB2_9:
0xcc: {  	_ =	sfence.sel $0x180000  }
0xcd: {  	[bflag:$0x0] =	sbarrier.arrive $0xFFFF  }
0xce: {  	p0 =	sne.s32 s0, $0x0;
	_ =	strace $0x90000047  }
0xcf: {  	s0 =	sadd.s32 @!p0 $0x100000, s1;
	[bflag:$0x2] =	sbarrier.arrive $0xFFFF  }
0xd0: {  	[sflag:s0] =	ssyncadd.tile.s32 @!p0 $0x1;
	_ =	shalt  }
.Lfunc_end2:
_tile_overlayer_lowered:
.L_overlay_start_2:
0xd1: {  	(tag) =	ssettag $0x2  }
0xd2: {  	s0 =	rddreg [dreg:$0x0];
	s2 =	stileid.u32  }
0xd3: {  	s1 =	rddreg [dreg:$0x1];
	p0 =	sne.s32 s2, $0x0  }
0xd4: {  	s3 =	rddreg [dreg:$0x2];
	[bflag:$0x3] =	sbarrier.arrive $0xFFFF;
	s2 =	simm.s32 @!p0 $0x1C05  }
0xd5: {  	[timem:s3], [sflag:s2] =	dma.local @!p0 [hbm:s0], s1  }
0xd6: {  	s0 =	simm.s32 @!p0 $0x5  }
0xd7: {  	_ =	swait.ge @!p0 [sflag:s0], s1  }
0xd8: {  	s1 =	ssub.s32 @!p0 $0x0, s1;
	[sflag:s0] =	ssyncset.done @!p0 $0x0  }
0xd9: {  	[sflag:s0] =	ssyncadd.s32 @!p0 s1  }
0xda: {  	[bflag:$0x3] =	sbarrier.arrive $0xFFFF  }
0xdb: {  	_ =	shalt  }

// kernel: sparse-core-data-format-call.cloned.1.call-start
scs
called_computation_lowered:
.L_overlay_start_0:
0x0: {  	s2 =	sld [smem:$0x3FD9]  }
0x1: {  	s3 =	sld [smem:$0x3FFE];
	_ =	sdelay $0x1  }
0x2: {  	s1 =	srdreg.scid  }
0x3: {  	s0 =	sand.u32 $0x1, s1  }
0x4: {  	s18 =	sshll.u32 s0, $0xA;
	s2 =	sadd.s32 s3, s2  }
0x5: {  	s2 =	sadd.s32 s2, s18  }
0x6: {  	[smem:$0x3FC6] =	sst s2  }
0x7: {  	_ = 	snop  }
0x8: {  	s2 =	sld [smem:$0x3FD0];
	(tm) =	ssettm $0x1  }
0x9: {  	s19 =	sld [smem:$0x3FFB];
	_ =	sdelay $0x3  }
0xa: {  	_ =	strace s19  }
0xb: {  	s3 =	sld [smem:$0x3FFC];
	_ =	sdelay $0x3  }
0xc: {  	_ =	strace s3  }
0xd: {  	s3 =	sld [smem:$0x3FFD];
	_ =	sdelay $0x3  }
0xe: {  	_ =	strace s3  }
0xf: {  	_ =	strace $0x8FFFFFFF  }
0x10: {  	s20 =	sld [smem:$0x3FDB];
	_ =	sdelay $0x1  }
0x11: {  	s4 =	simm.s32 $_scs_section_size  }
0x12: {  	s5 =	simm.s32 $_size__tile_overlayer_lowered;
	s6 =	simm.s32 $_tile_overlayer_lowered  }
0x13: {  	s23 =	simm.s32 $0x1BFF;
	s22 =	sshll.u32 s6, $0x1;
	s3 =	sadd.s32 s4, s20  }
0x14: {  	s7 =	simm.s32 $0x0;
	s21 =	sshll.u32 s5, $0x1;
	s5 =	sadd.s32 s22, s3  }
0x15: {  	[timem:s7], [sflag:s23] =	dma.local [hbm:s5], s21  }
0x16: {  	_ =	swait.ge [sflag:s23], s21  }
0x17: {  	s4 =	ssub.s32 $0x0, s21;
	[sflag:s23] =	ssyncset.done $0x0  }
0x18: {  	[sflag:s23] =	ssyncadd.s32 s4;
	_ =	sdelay $0x1  }
0x19: {  	s24 =	simm.s32 $0x1B8B  }
0x1a: {  	_ =	swait.ge [sflag:s24], $0x1  }
0x1b: {  	[sflag:s24] =	ssyncset.done $0x0  }
0x1c: {  	s26 =	simm.s32 $0x1B8E;
	s25 =	sld [smem:$0x3FFE];
	[sflag:s24] =	ssyncadd.s32 $0xFFFFFFFF  }
0x1d: {  	s27 =	simm.s32 $execute0_lowered;
	[smem:$0x3FD2] =	sst s26  }
0x1e: {  	s5 =	sshll.u32 s27, $0x1;
	_ =	strace $0x80000049;
	[dreg:$0x1] =	wrdreg $0xFFFFFFFF  }
0x1f: {  	s28 =	simm.s32 $_size_execute0_lowered;
	s3 =	sadd.s32 s3, s5;
	[dreg:$0x0] =	wrdreg $0x0  }
0x20: {  	s5 =	sshll.u32 s28, $0x1;
	[dreg:$0x2] =	wrdreg s3  }
0x21: {  	[dreg:$0x3] =	wrdreg s5  }
0x22: {  	[dreg:$0x4] =	wrdreg $0xC0  }
0x23: {  	_ =	task [dreg:s7], $0x5FFFF  }
0x24: {  	[dreg:$0x1] =	wrdreg $0xFFFFFFFF  }
0x25: {  	[dreg:$0x0] =	wrdreg $0x60  }
0x26: {  	[dreg:$0x2] =	wrdreg s25  }
0x27: {  	[dreg:$0x3] =	wrdreg s2  }
0x28: {  	[dreg:$0x4] =	wrdreg $0x9  }
0x29: {  	_ =	task.clear_ibuf [dreg:s7], $0x5FFFF;
	_ =	strace $0x90000049  }
0x2a: {  	s29 =	simm.s32 $0x9;
	_ =	strace $0x8000004B  }
0x2b: {  	_ =	swait.ge [sflag:s29], $0x1  }
0x2c: {  	[sflag:s29] =	ssyncadd.s32 $0xFFFFFFFF  }
0x2d: {  	_ =	strace $0x9000004B  }
0x2e: {  	_ =	sfence  }
0x2f: {  	s30 =	sld [smem:$0x0];
	_ =	sdelay $0x2  }
0x30: {  	s31 =	sshll.u32 s1, $0xD;
	s1 =	sshrl.u32 s1, $0x2  }
0x31: {  	s3 =	sand.u32 $0x4000, s31;
	s1 =	sadd.s32 s1, s30  }
0x32: {  	s0 =	sor.u32 s3, s0;
	s1 =	sshll.u32 s1, $0x11  }
0x33: {  	s0 =	sor.u32 s1, s0  }
0x34: {  	s0 =	sadd.s32 $0x8F2B, s0  }
0x35: {  	[sflag:s0] =	ssyncadd.remote.s32 $0x1  }
0x36: {  	_ =	sfence.sel $0xFFFF  }
0x37: {  	[dreg:$0x0] =	wrdreg $0xFFFFFFFF;
	(pc) =	sbr.abs _section_cstart, $3  }
0x38: {  	[dreg:$0x1] =	wrdreg $0xFFFFFFFF  }
0x39: {  	_ =	task.clear_ibuf [dreg:s7], $0x2FFFF;
	_ =	strace $0x9FFFFFFF  }
0x3a: {  	(tm) =	ssettm $0x7FFFFFFF  }
0x3b: {  	_ =	shalt  }
tec
execute0_lowered:
.L_overlay_start_1:
0x0: {  	(tag) =	ssettag $0x1  }
0x1: {  	s0 =	srdreg.scid  }
0x2: {  	s1 =	sshll.u32 s0, $0x4  }
0x3: {  	s5 =	rddreg [dreg:$0x0];
	s0 =	stileid.u32;
	s1 =	sand.u32 $0x10, s1  }
0x4: {  	s3 =	rddreg [dreg:$0x1];
	s31 =	simm.s32 $0x2;
	s4 =	sor.u32 s0, s1  }
0x5: {  	s13 =	simm.s32 $0x0;
	s9 =	simm.s32 $0x400;
	s2 =	sshll.u32 s4, $0x7  }
0x6: {  	s10 =	simm.s32 $0x8000;
	s14 =	simm.s32 $0x0;
	s6 =	ssub.s32 $0x1000, s2  }
0x7: {  	s1 =	rddreg [dreg:$0x2];
	_ =	strace $0x8000004A;
	s7 =	sand.u32 $0xF80, s6  }
0x8: {  	s4 =	sshll.u32 s4, $0xB;
	p0 =	sne.s32 s7, $0x0;
	s7 =	simm.s32 $0x1  }
.Ltmp0:
0x9: {  	s6 =	sshrl.u32 s6, $0xC;
	s7 =	simm.s32 @!p0 $0x0;
	(pc) =	sbr.rel .LBB1_1-.Ltmp0, $4  }
0xa: {  	s8 =	sadd.s32 s4, s5;
	s4 =	simm.s32 $0x1;
	s30 =	sadd.s32 s7, s6  }
0xb: {  	s11 =	simm.s32 $0x0;
	[sflag:s4] =	ssyncpa.u1 $0x0;
	s5 =	smul.u32 $0x64, s30  }
0xc: {  	s12 =	simm.s32 $0x0;
	[sflag:s31] =	ssyncpa.u1 $0x0;
	p0 =	por $0x0, $0x0  }
0xd: {  	s6 =	sadd.s32 $0xA00, s8;
	s7 =	sadd.s32 $0x10A00, s8;
	s8 =	sor.u32 $0x1, s5  }
.LBB1_7:
0xe: {  	s15 =	sadd.s32 $0x2, s11  }
0xf: {  	p2 =	sgt.s32 s15, $0xC7  }
0x10: {  	s15 =	simm.s32 @p2 $0x0;
	p2 =	sne.s32 s12, s8  }
.Ltmp1:
0x11: {  	p1 =	slt.u32 s12, $0x2;
	(pc) =	sbr.rel @!p2 .LBB1_8-.Ltmp1, $4  }
0x12: {  	s13 =	simm.s32 @!p1 $0x2  }
0x13: {  	s16 =	sadd.s32 $0x1, s12;
	s14 =	smov.u32 s11;
	_ =	swait.ge @!p1 [sflag:s13], $0x4000  }
0x14: {  	p0 =	por !p0, !p0;
	s12 =	smov.u32 s16;
	[sflag:s13] =	ssyncset.done @!p1 $0x0  }
0x15: {  	s11 =	smov.u32 s15;
	[sflag:s13] =	ssyncadd.s32 @!p1 $0xFFFFC000;
	s13 =	smov.u32 s2  }
.LBB1_1:
0x16: {  	p1 =	sge.u32 s12, s5  }
0x17: {  	s15 =	sxor.u32 @!p1 $0xFFFFFFFF, s12  }
0x18: {  	s16 =	sshll.u32 @!p1 s11, $0x10;
	s18 =	simm.s32 @!p1 $0x40;
	s15 =	sshll.u32 @!p1 s15, $0xE  }
0x19: {  	s19 =	simm.s32 @!p1 $0x80;
	s17 =	sadd.s32 @!p1 s16, s6;
	s15 =	sand.u32 @!p1 $0x4000, s15  }
0x1a: {  	[tilespmem:s15], [sflag:$0x1] =	stream.strided.gather @!p1 [hbm4b:s17+s18], $0x2000, s19, s18, $0x38;
	[tilespmem:$0x10100] =	vst v63  }
0x1b: {  	s31 =	sadd.s32 $0xFFFFFFFF, s12;
	s16 =	sadd.s32 @!p1 s16, s7;
	s15 =	sor.u32 @!p1 $0x2000, s15  }
0x1c: {  	[tilespmem:s15], [sflag:$0x1] =	stream.strided.gather @!p1 [hbm4b:s16+s18], $0x2000, s19, s18, $0x38;
	[tilespmem:$0x10100] =	vst v63  }
0x1d: {  	p1 =	sge.u32 s31, s5  }
.Ltmp2:
0x1e: {  	_ = 	snop;
	(pc) =	sbr.rel @p1 .LBB1_7-.Ltmp2, $1  }
0x1f: {  	_ =	sdelay $0x3  }
0x20: {  	s15 =	simm.s32 $0x1;
	s17 =	sand.u32 $0x1, s12  }
0x21: {  	_ =	swait.ge [sflag:s4], $0x4000;
	s15 =	simm.s32 @!p0 $0x0;
	s17 =	smul.u32 $0x10200, s17  }
0x22: {  	p2 =	por $0x1, $0x1;
	[sflag:s4] =	ssyncset.done $0x0;
	s16 =	smul.u32 $0x10200, s15  }
0x23: {  	s18 =	sshll.u32 s15, $0x10;
	[sflag:s4] =	ssyncadd.s32 $0xFFFFC000;
	s30 =	sshrl.u32 s17, $0x2  }
0x24: {  	s31 =	sshrl.u32 s18, $0x2;
	s18 =	simm.s32 $0x0;
	s16 =	sshrl.u32 s16, $0x2  }
0x25: {  	s15 =	sor.u32 $0x8000, s30;
	s17 =	sadd.s32 $0x20, s31;
	s16 =	sor.u32 $0x8000, s16  }
.LBB1_3:
0x26: {  	s19 =	sshll.u32 s18, $0xD  }
0x27: {  	s19 =	sand.u32 $0x3FFFE000, s19  }
0x28: {  	s21 =	sadd.s32 s19, s17  }
0x29: {  	s31 =	smul.u32 $0x8100, s18;
	v3 =	vld [tilespmem:s21+$0x10]  }
0x2a: {  	v1 =	vld [tilespmem:s21+$0xFFFFFFF0]  }
0x2b: {  	s18 =	sshra.s32 s31, $0x2;
	v0 =	vld [tilespmem:s21+$0x0]  }
0x2c: {  	s18 =	sadd.s32 s18, s16;
	v2 =	vld [tilespmem:s21+$0xFFFFFFE0]  }
0x2d: {  	s19 =	sadd.s32 $0x0, s18  }
0x2e: {  	p1 =	por p2, p2;
	s20 =	simm.s32 $0x4;
	s21 =	sadd.s32 $0x40, s21;
	[tilespmem:s19+$0x1830 ss:$0x81] =	vst.msk $0xffff, v3  }
.LBB1_4:
0x2f: {  	v3 =	vld [tilespmem:s21+$0x10];
	p2 =	sne.s32 s20, $0x1FC;
	[tilespmem:s19+$0x810 ss:$0x81] =	vst.msk $0xffff, v1;
	s22 =	smov.u32 s20;
	s20 =	sadd.s32 $0x4, s20  }
.Ltmp3:
0x30: {  	v1 =	vld [tilespmem:s21+$0xFFFFFFF0];
	[tilespmem:s19+$0x1020 ss:$0x81] =	vst.msk $0xffff, v0;
	(pc) =	sbr.rel @p2 .LBB1_4-.Ltmp3, $4  }
0x31: {  	v0 =	vld [tilespmem:s21+$0x0];
	[tilespmem:s19+$0x0 ss:$0x81] =	vst.msk $0xffff, v2  }
0x32: {  	s19 =	sshra.s32 s22, $0x2;
	v2 =	vld [tilespmem:s21+$0xFFFFFFE0]  }
0x33: {  	s19 =	sadd.s32 s19, s18  }
0x34: {  	s21 =	sadd.s32 $0x40, s21;
	[tilespmem:s19+$0x1830 ss:$0x81] =	vst.msk $0xffff, v3  }
.Ltmp4:
0x35: {  	(pc) =	sbr.rel @p1 .LBB1_3-.Ltmp4, $4  }
0x36: {  	_ = 	snop  }
0x37: {  	[tilespmem:s19+$0x810 ss:$0x81] =	vst.msk $0xffff, v1  }
0x38: {  	[tilespmem:s19+$0x1020 ss:$0x81] =	vst.msk $0xffff, v0  }
0x39: {  	s18 =	simm.s32 $0x1;
	p2 =	por $0x0, $0x0;
	[tilespmem:s19+$0x0 ss:$0x81] =	vst.msk $0xffff, v2  }
.Ltmp5:
0x3a: {  	(pc) =	sbr.rel .LBB1_7-.Ltmp5, $4  }
0x3b: {  	s14 =	sshll.u32 s14, $0xF  }
0x3c: {  	s14 =	sadd.s32 s3, s14  }
0x3d: {  	s13 =	sadd.s32 s13, s14  }
0x3e: {  	[hbm4b:s13+s9] =	stream.strided.scatter [tilespmem:s15], [sflag:$0x2], $0x4000, s10, s9, $0x20;
	[tilespmem:$0x10100] =	vst v63  }
.LBB1_8:
0x3f: {  	_ =	sfence.sel $0x180000  }
0x40: {  	s2 =	simm.s32 $0x1;
	[bflag:$0x0] =	sbarrier.arrive $0xFFFF  }
0x41: {  	s31 =	simm.s32 $0x2;
	[sflag:s2] =	ssyncpa.u1 $0x1  }
0x42: {  	[sflag:s31] =	ssyncpa.u1 $0x1  }
0x43: {  	p0 =	sne.s32 s0, $0x0;
	_ =	strace $0x9000004A  }
0x44: {  	s0 =	sadd.s32 @!p0 $0x100000, s1;
	[bflag:$0x2] =	sbarrier.arrive $0xFFFF  }
0x45: {  	[sflag:s0] =	ssyncadd.tile.s32 @!p0 $0x1;
	_ =	shalt  }
.Lfunc_end1:
_tile_overlayer_lowered:
.L_overlay_start_2:
0x46: {  	(tag) =	ssettag $0x2  }
0x47: {  	s0 =	rddreg [dreg:$0x0];
	s2 =	stileid.u32  }
0x48: {  	s1 =	rddreg [dreg:$0x1];
	p0 =	sne.s32 s2, $0x0  }
0x49: {  	s3 =	rddreg [dreg:$0x2];
	[bflag:$0x3] =	sbarrier.arrive $0xFFFF;
	s2 =	simm.s32 @!p0 $0x1C01  }
0x4a: {  	[timem:s3], [sflag:s2] =	dma.local @!p0 [hbm:s0], s1  }
0x4b: {  	s0 =	simm.s32 @!p0 $0x1  }
0x4c: {  	_ =	swait.ge @!p0 [sflag:s0], s1  }
0x4d: {  	s1 =	ssub.s32 @!p0 $0x0, s1;
	[sflag:s0] =	ssyncset.done @!p0 $0x0  }
0x4e: {  	[sflag:s0] =	ssyncadd.s32 @!p0 s1  }
0x4f: {  	[bflag:$0x3] =	sbarrier.arrive $0xFFFF  }
0x50: {  	_ =	shalt  }

</sc_bundles>
